<compile_context>
chip_gen: v7x
topology: tpu7x:2x2x1
jax: 0.10.2.dev20260603
libtpu: 0.0.44.dev20260713+nightly
codegen_flags: <defaults>
</compile_context>

<pallas_src>
import jax
import jax.numpy as jnp
from jax import lax
from jax.experimental import pallas as pl
from jax.experimental.pallas import tpu as pltpu
from jax.experimental.pallas import tpu_sc as plsc

CONTEXT = 2048
EMB = 1024
BATCH = 8
NWORK = 32
TROWS = CONTEXT // NWORK
KC = 64
NCH = TROWS // KC


def _body(seq_hbm, table_hbm, out_hbm, seq_v, oidx, buf, gs0, gs1, ss0, ss1):
    gsems = (gs0, gs1)
    ssems = (ss0, ss1)
    cid = lax.axis_index("c")
    sid = lax.axis_index("s")
    w = sid * 2 + cid
    rbase = w * TROWS

    gd = []
    for c in range(NCH):
        rb = pl.multiple_of(rbase + KC * c, KC)
        gd.append(pltpu.async_copy(
            table_hbm.at[pl.ds(rb, KC)], buf.at[c], gsems[c]))

    pltpu.sync_copy(seq_hbm, seq_v)
    sv16 = seq_v[...]

    lane = lax.iota(jnp.int32, 16)
    for c in range(NCH):
        for b in range(BATCH):
            s_vec = lax.gather(
                sv16, jnp.full((16, 1), b, jnp.int32),
                lax.GatherDimensionNumbers(
                    offset_dims=(), collapsed_slice_dims=(0,),
                    start_index_map=(0,)),
                (1,), mode=lax.GatherScatterMode.PROMISE_IN_BOUNDS)
            for t in range(KC // 16):
                r = rbase + KC * c + 16 * t + lane
                oidx[c, b, pl.ds(16 * t, 16)] = (
                    b * CONTEXT + ((r - s_vec) & (CONTEXT - 1)))

    sd = []
    for c in range(NCH):
        gd[c].wait()
        for b in range(BATCH):
            sd.append(pltpu.async_copy(
                buf.at[c], out_hbm.at[oidx.at[c, b]], ssems[c]))
    for d in sd:
        d.wait()


_cache = {}


def _get_roll():
    if "k" not in _cache:
        mesh = plsc.VectorSubcoreMesh(core_axis_name="c", subcore_axis_name="s",
                                      num_cores=2, num_subcores=16)
        _cache["k"] = pl.kernel(
            _body,
            out_type=jax.ShapeDtypeStruct((BATCH * CONTEXT, EMB), jnp.float32),
            mesh=mesh,
            scratch_types=[
                pltpu.VMEM((16,), jnp.int32),
                pltpu.VMEM((NCH, BATCH, KC), jnp.int32),
                pltpu.VMEM((NCH, KC, EMB), jnp.float32),
                pltpu.SemaphoreType.DMA,
                pltpu.SemaphoreType.DMA,
                pltpu.SemaphoreType.DMA,
                pltpu.SemaphoreType.DMA,
            ],
        )
    return _cache["k"]


def kernel(seq_lengths, embeddings):
    seq16 = jnp.pad(seq_lengths.astype(jnp.int32), (0, 16 - BATCH))
    out = _get_roll()(seq16, embeddings)
    return out.reshape(BATCH, CONTEXT, EMB)

# --- scband reference (transcript-rebuilt; emitter-appended) ---
"""Pipeline reference for scband-positional-embedding-49323404427875 (READ-ONLY COPY).

The authoritative reference and input builder live on the scoring server;
editing this copy changes nothing except your own understanding.
"""

import jax, jax.numpy as jnp
import numpy as np

CONTEXT_SIZE = 2048
EMBEDDING_SIZE = 1024
BATCH = 8

def setup_inputs(seed: int = 0) -> dict:
    key = jax.random.key(seed)
    k1, k2 = jax.random.split(key)
    seq_lengths = jax.random.randint(k1, (BATCH,), 0, CONTEXT_SIZE, dtype=jnp.int64 if jax.config.jax_enable_x64 else jnp.int32)
    # learned positional table, TruncatedNormal(stddev=0.02)
    embeddings = (jax.random.truncated_normal(k2, -2.0, 2.0, (CONTEXT_SIZE, EMBEDDING_SIZE), dtype=jnp.float32) * 0.02)
    return {"seq_lengths": seq_lengths, "embeddings": embeddings}

def reference(seq_lengths, embeddings):
    # shift_embeddings = vmap(partial(jnp.roll, axis=0), (None, 0))
    # called as shift_embeddings(positional_embeddings, -seq_lengths)
    shift_embeddings = jax.vmap(lambda shift: jnp.roll(embeddings, shift, axis=0))
    return shift_embeddings(-seq_lengths)

if __name__ == "__main__":
    import jax
    _d = setup_inputs()
    print(jax.jit(kernel)(*tuple(_d.values())))

</pallas_src>

<mosaic_0001>
#map = affine_map<(d0, d1) -> (0)>
#map1 = affine_map<(d0, d1) -> (0, 0)>
module attributes {stable_mosaic.version = 14 : i64} {
  func.func @_body(%arg0: i32, %arg1: i32, %arg2: memref<16xi32, #tpu.memory_space<hbm>>, %arg3: memref<2048x1024xf32, #tpu.memory_space<hbm>>, %arg4: memref<16384x1024xf32, #tpu.memory_space<hbm>>, %arg5: memref<16xi32, #tpu.memory_space<vmem>>, %arg6: memref<1x8x64xi32, #tpu.memory_space<vmem>>, %arg7: memref<1x64x1024xf32, #tpu.memory_space<vmem>>, %arg8: memref<!tpu.dma_semaphore, #tpu.memory_space<semaphore_mem>>, %arg9: memref<!tpu.dma_semaphore, #tpu.memory_space<semaphore_mem>>, %arg10: memref<!tpu.dma_semaphore, #tpu.memory_space<semaphore_mem>>, %arg11: memref<!tpu.dma_semaphore, #tpu.memory_space<semaphore_mem>>) attributes {dimension_semantics = [#tpu.dimension_semantics<core_parallel>, #tpu.dimension_semantics<subcore_parallel>], iteration_bounds = array<i64: 2, 16>, scalar_prefetch = 0 : i64, scratch_operands = 7 : i64, tpu.core_type = #tpu.core_type<sc_vector_subcore>, window_params = [{transform_indices = #map}, {transform_indices = #map1}, {transform_indices = #map1}]} {
    %mul3A = arith.constant 2 : i32
    %mul3A_0 = arith.muli %arg1, %mul3A : i32
    %add3A = arith.addi %mul3A_0, %arg0 : i32
    %mul3A_1 = arith.constant 64 : i32
    %mul3A_2 = arith.muli %add3A, %mul3A_1 : i32
    %add3A_3 = arith.constant 0 : i32
    %add3A_4 = arith.addi %mul3A_2, %add3A_3 : i32
    %multiple_of3A = tpu.assume_multiple %add3A_4, 64 : i32
    %dma_start3A = arith.constant 0 : i32
    %dma_start3A_5 = arith.constant 0 : i32
    %dma_start3A_6 = arith.constant 0 : i32
    %dma_start3A_7 = tpu.memref_slice %arg7[%dma_start3A, %dma_start3A_5, %dma_start3A_6] : memref<1x64x1024xf32, #tpu.memory_space<vmem>> -> memref<1x64x1024xf32, #tpu.memory_space<vmem>>
    %dma_start3A_8 = tpu.memref_squeeze %dma_start3A_7 : memref<1x64x1024xf32, #tpu.memory_space<vmem>> -> memref<64x1024xf32, #tpu.memory_space<vmem>>
    %dma_start3A_9 = arith.constant 0 : i32
    %dma_start3A_10 = tpu.memref_slice %arg3[%multiple_of3A, %dma_start3A_9] : memref<2048x1024xf32, #tpu.memory_space<hbm>> -> memref<64x1024xf32, #tpu.memory_space<hbm>>
    %dma_start3A_11 = arith.constant 0 : i32
    %dma_start3A_12 = arith.constant 0 : i32
    %dma_start3A_13 = tpu.memref_slice %arg7[%dma_start3A, %dma_start3A_11, %dma_start3A_12] : memref<1x64x1024xf32, #tpu.memory_space<vmem>> -> memref<1x64x1024xf32, #tpu.memory_space<vmem>>
    %dma_start3A_14 = tpu.memref_squeeze %dma_start3A_13 : memref<1x64x1024xf32, #tpu.memory_space<vmem>> -> memref<64x1024xf32, #tpu.memory_space<vmem>>
    %dma_start3A_15 = arith.constant 0 : i32
    %dma_start3A_16 = tpu.memref_slice %arg3[%multiple_of3A, %dma_start3A_15] : memref<2048x1024xf32, #tpu.memory_space<hbm>> -> memref<64x1024xf32, #tpu.memory_space<hbm>>
    tpu.enqueue_dma source(%dma_start3A_16 : memref<64x1024xf32, #tpu.memory_space<hbm>>) target(%dma_start3A_14 : memref<64x1024xf32, #tpu.memory_space<vmem>>) target_semaphore(%arg8 : memref<!tpu.dma_semaphore, #tpu.memory_space<semaphore_mem>>)
    "tpu.region"() ({
      %run_scoped3A = tpu.sem_alloc : memref<!tpu.dma_semaphore, #tpu.memory_space<semaphore_mem>>
      tpu.enqueue_dma source(%arg2 : memref<16xi32, #tpu.memory_space<hbm>>) target(%arg5 : memref<16xi32, #tpu.memory_space<vmem>>) target_semaphore(%run_scoped3A : memref<!tpu.dma_semaphore, #tpu.memory_space<semaphore_mem>>)
      tpu.wait_dma2 semaphore(%run_scoped3A : memref<!tpu.dma_semaphore, #tpu.memory_space<semaphore_mem>>) src(%arg2 : memref<16xi32, #tpu.memory_space<hbm>>) dst(%arg5 : memref<16xi32, #tpu.memory_space<vmem>>)
      tpu.yield
    }) : () -> ()
    %get3A = arith.constant 0 : index
    %get3A_17 = tpu.vector_load %arg5[%get3A] {strides = array<i32>} : memref<16xi32, #tpu.memory_space<vmem>>, vector<16xi32>,
    %get3A_18 = vector.shape_cast %get3A_17 : vector<16xi32> to vector<16xi32>
    %iota3A = tpu.iota {dimensions = array<i32: 0>} : vector<16xi32>
    %broadcast_in_dim3A = arith.constant 0 : i32
    %broadcast_in_dim3A_19 = vector.broadcast %broadcast_in_dim3A : i32 to vector<16x1xi32>
    %gather3A = vector.shape_cast %broadcast_in_dim3A_19 : vector<16x1xi32> to vector<16xi32>
    %gather3A_20 = tpu.dynamic_gather %get3A_18[%gather3A] in [0] : vector<16xi32>, vector<16xi32> -> vector<16xi32>
    %add3A_21 = arith.constant 0 : i32
    %add3A_22 = arith.addi %mul3A_2, %add3A_21 : i32
    %add3A_23 = arith.constant 0 : i32
    %add3A_24 = arith.addi %add3A_22, %add3A_23 : i32
    %add3A_25 = vector.broadcast %add3A_24 : i32 to vector<16xi32>
    %add3A_26 = arith.addi %add3A_25, %iota3A : vector<16xi32>
    %sub3A = arith.subi %add3A_26, %gather3A_20 : vector<16xi32>
    %and3A = arith.constant 2047 : i32
    %and3A_27 = vector.broadcast %and3A : i32 to vector<16xi32>
    %and3A_28 = arith.andi %sub3A, %and3A_27 : vector<16xi32>
    %add3A_29 = arith.constant 0 : i32
    %add3A_30 = vector.broadcast %add3A_29 : i32 to vector<16xi32>
    %add3A_31 = arith.addi %add3A_30, %and3A_28 : vector<16xi32>
    %swap3A = arith.constant 0 : i32
    %swap3A_32 = arith.constant 0 : i32
    %swap3A_33 = arith.index_cast %swap3A : i32 to index
    %swap3A_34 = arith.index_cast %swap3A_32 : i32 to index
    %swap3A_35 = arith.constant 0 : index
    %swap3A_36 = tpu.vector_load %arg6[%swap3A_33, %swap3A_34, %swap3A_35] {strides = array<i32>} : memref<1x8x64xi32, #tpu.memory_space<vmem>>, vector<1x1x16xi32>,
    %swap3A_37 = vector.shape_cast %swap3A_36 : vector<1x1x16xi32> to vector<16xi32>
    %swap3A_38 = vector.shape_cast %add3A_31 : vector<16xi32> to vector<1x1x16xi32>
    tpu.vector_store %arg6[%swap3A_33, %swap3A_34, %swap3A_35], %swap3A_38 {strides = array<i32>} : memref<1x8x64xi32, #tpu.memory_space<vmem>>, vector<1x1x16xi32>,
    %add3A_39 = arith.constant 0 : i32
    %add3A_40 = arith.addi %mul3A_2, %add3A_39 : i32
    %add3A_41 = arith.constant 16 : i32
    %add3A_42 = arith.addi %add3A_40, %add3A_41 : i32
    %add3A_43 = vector.broadcast %add3A_42 : i32 to vector<16xi32>
    %add3A_44 = arith.addi %add3A_43, %iota3A : vector<16xi32>
    %sub3A_45 = arith.subi %add3A_44, %gather3A_20 : vector<16xi32>
    %and3A_46 = arith.constant 2047 : i32
    %and3A_47 = vector.broadcast %and3A_46 : i32 to vector<16xi32>
    %and3A_48 = arith.andi %sub3A_45, %and3A_47 : vector<16xi32>
    %add3A_49 = arith.constant 0 : i32
    %add3A_50 = vector.broadcast %add3A_49 : i32 to vector<16xi32>
    %add3A_51 = arith.addi %add3A_50, %and3A_48 : vector<16xi32>
    %swap3A_52 = arith.constant 0 : i32
    %swap3A_53 = arith.constant 0 : i32
    %swap3A_54 = arith.index_cast %swap3A_52 : i32 to index
    %swap3A_55 = arith.index_cast %swap3A_53 : i32 to index
    %swap3A_56 = arith.constant 16 : index
    %swap3A_57 = tpu.vector_load %arg6[%swap3A_54, %swap3A_55, %swap3A_56] {strides = array<i32>} : memref<1x8x64xi32, #tpu.memory_space<vmem>>, vector<1x1x16xi32>,
    %swap3A_58 = vector.shape_cast %swap3A_57 : vector<1x1x16xi32> to vector<16xi32>
    %swap3A_59 = vector.shape_cast %add3A_51 : vector<16xi32> to vector<1x1x16xi32>
    tpu.vector_store %arg6[%swap3A_54, %swap3A_55, %swap3A_56], %swap3A_59 {strides = array<i32>} : memref<1x8x64xi32, #tpu.memory_space<vmem>>, vector<1x1x16xi32>,
    %add3A_60 = arith.constant 0 : i32
    %add3A_61 = arith.addi %mul3A_2, %add3A_60 : i32
    %add3A_62 = arith.constant 32 : i32
    %add3A_63 = arith.addi %add3A_61, %add3A_62 : i32
    %add3A_64 = vector.broadcast %add3A_63 : i32 to vector<16xi32>
    %add3A_65 = arith.addi %add3A_64, %iota3A : vector<16xi32>
    %sub3A_66 = arith.subi %add3A_65, %gather3A_20 : vector<16xi32>
    %and3A_67 = arith.constant 2047 : i32
    %and3A_68 = vector.broadcast %and3A_67 : i32 to vector<16xi32>
    %and3A_69 = arith.andi %sub3A_66, %and3A_68 : vector<16xi32>
    %add3A_70 = arith.constant 0 : i32
    %add3A_71 = vector.broadcast %add3A_70 : i32 to vector<16xi32>
    %add3A_72 = arith.addi %add3A_71, %and3A_69 : vector<16xi32>
    %swap3A_73 = arith.constant 0 : i32
    %swap3A_74 = arith.constant 0 : i32
    %swap3A_75 = arith.index_cast %swap3A_73 : i32 to index
    %swap3A_76 = arith.index_cast %swap3A_74 : i32 to index
    %swap3A_77 = arith.constant 32 : index
    %swap3A_78 = tpu.vector_load %arg6[%swap3A_75, %swap3A_76, %swap3A_77] {strides = array<i32>} : memref<1x8x64xi32, #tpu.memory_space<vmem>>, vector<1x1x16xi32>,
    %swap3A_79 = vector.shape_cast %swap3A_78 : vector<1x1x16xi32> to vector<16xi32>
    %swap3A_80 = vector.shape_cast %add3A_72 : vector<16xi32> to vector<1x1x16xi32>
    tpu.vector_store %arg6[%swap3A_75, %swap3A_76, %swap3A_77], %swap3A_80 {strides = array<i32>} : memref<1x8x64xi32, #tpu.memory_space<vmem>>, vector<1x1x16xi32>,
    %add3A_81 = arith.constant 0 : i32
    %add3A_82 = arith.addi %mul3A_2, %add3A_81 : i32
    %add3A_83 = arith.constant 48 : i32
    %add3A_84 = arith.addi %add3A_82, %add3A_83 : i32
    %add3A_85 = vector.broadcast %add3A_84 : i32 to vector<16xi32>
    %add3A_86 = arith.addi %add3A_85, %iota3A : vector<16xi32>
    %sub3A_87 = arith.subi %add3A_86, %gather3A_20 : vector<16xi32>
    %and3A_88 = arith.constant 2047 : i32
    %and3A_89 = vector.broadcast %and3A_88 : i32 to vector<16xi32>
    %and3A_90 = arith.andi %sub3A_87, %and3A_89 : vector<16xi32>
    %add3A_91 = arith.constant 0 : i32
    %add3A_92 = vector.broadcast %add3A_91 : i32 to vector<16xi32>
    %add3A_93 = arith.addi %add3A_92, %and3A_90 : vector<16xi32>
    %swap3A_94 = arith.constant 0 : i32
    %swap3A_95 = arith.constant 0 : i32
    %swap3A_96 = arith.index_cast %swap3A_94 : i32 to index
    %swap3A_97 = arith.index_cast %swap3A_95 : i32 to index
    %swap3A_98 = arith.constant 48 : index
    %swap3A_99 = tpu.vector_load %arg6[%swap3A_96, %swap3A_97, %swap3A_98] {strides = array<i32>} : memref<1x8x64xi32, #tpu.memory_space<vmem>>, vector<1x1x16xi32>,
    %swap3A_100 = vector.shape_cast %swap3A_99 : vector<1x1x16xi32> to vector<16xi32>
    %swap3A_101 = vector.shape_cast %add3A_93 : vector<16xi32> to vector<1x1x16xi32>
    tpu.vector_store %arg6[%swap3A_96, %swap3A_97, %swap3A_98], %swap3A_101 {strides = array<i32>} : memref<1x8x64xi32, #tpu.memory_space<vmem>>, vector<1x1x16xi32>,
    %broadcast_in_dim3A_102 = arith.constant 1 : i32
    %broadcast_in_dim3A_103 = vector.broadcast %broadcast_in_dim3A_102 : i32 to vector<16x1xi32>
    %gather3A_104 = vector.shape_cast %broadcast_in_dim3A_103 : vector<16x1xi32> to vector<16xi32>
    %gather3A_105 = tpu.dynamic_gather %get3A_18[%gather3A_104] in [0] : vector<16xi32>, vector<16xi32> -> vector<16xi32>
    %add3A_106 = arith.constant 0 : i32
    %add3A_107 = arith.addi %mul3A_2, %add3A_106 : i32
    %add3A_108 = arith.constant 0 : i32
    %add3A_109 = arith.addi %add3A_107, %add3A_108 : i32
    %add3A_110 = vector.broadcast %add3A_109 : i32 to vector<16xi32>
    %add3A_111 = arith.addi %add3A_110, %iota3A : vector<16xi32>
    %sub3A_112 = arith.subi %add3A_111, %gather3A_105 : vector<16xi32>
    %and3A_113 = arith.constant 2047 : i32
    %and3A_114 = vector.broadcast %and3A_113 : i32 to vector<16xi32>
    %and3A_115 = arith.andi %sub3A_112, %and3A_114 : vector<16xi32>
    %add3A_116 = arith.constant 2048 : i32
    %add3A_117 = vector.broadcast %add3A_116 : i32 to vector<16xi32>
    %add3A_118 = arith.addi %add3A_117, %and3A_115 : vector<16xi32>
    %swap3A_119 = arith.constant 0 : i32
    %swap3A_120 = arith.constant 1 : i32
    %swap3A_121 = arith.index_cast %swap3A_119 : i32 to index
    %swap3A_122 = arith.index_cast %swap3A_120 : i32 to index
    %swap3A_123 = arith.constant 0 : index
    %swap3A_124 = tpu.vector_load %arg6[%swap3A_121, %swap3A_122, %swap3A_123] {strides = array<i32>} : memref<1x8x64xi32, #tpu.memory_space<vmem>>, vector<1x1x16xi32>,
    %swap3A_125 = vector.shape_cast %swap3A_124 : vector<1x1x16xi32> to vector<16xi32>
    %swap3A_126 = vector.shape_cast %add3A_118 : vector<16xi32> to vector<1x1x16xi32>
    tpu.vector_store %arg6[%swap3A_121, %swap3A_122, %swap3A_123], %swap3A_126 {strides = array<i32>} : memref<1x8x64xi32, #tpu.memory_space<vmem>>, vector<1x1x16xi32>,
    %add3A_127 = arith.constant 0 : i32
    %add3A_128 = arith.addi %mul3A_2, %add3A_127 : i32
    %add3A_129 = arith.constant 16 : i32
    %add3A_130 = arith.addi %add3A_128, %add3A_129 : i32
    %add3A_131 = vector.broadcast %add3A_130 : i32 to vector<16xi32>
    %add3A_132 = arith.addi %add3A_131, %iota3A : vector<16xi32>
    %sub3A_133 = arith.subi %add3A_132, %gather3A_105 : vector<16xi32>
    %and3A_134 = arith.constant 2047 : i32
    %and3A_135 = vector.broadcast %and3A_134 : i32 to vector<16xi32>
    %and3A_136 = arith.andi %sub3A_133, %and3A_135 : vector<16xi32>
    %add3A_137 = arith.constant 2048 : i32
    %add3A_138 = vector.broadcast %add3A_137 : i32 to vector<16xi32>
    %add3A_139 = arith.addi %add3A_138, %and3A_136 : vector<16xi32>
    %swap3A_140 = arith.constant 0 : i32
    %swap3A_141 = arith.constant 1 : i32
    %swap3A_142 = arith.index_cast %swap3A_140 : i32 to index
    %swap3A_143 = arith.index_cast %swap3A_141 : i32 to index
    %swap3A_144 = arith.constant 16 : index
    %swap3A_145 = tpu.vector_load %arg6[%swap3A_142, %swap3A_143, %swap3A_144] {strides = array<i32>} : memref<1x8x64xi32, #tpu.memory_space<vmem>>, vector<1x1x16xi32>,
    %swap3A_146 = vector.shape_cast %swap3A_145 : vector<1x1x16xi32> to vector<16xi32>
    %swap3A_147 = vector.shape_cast %add3A_139 : vector<16xi32> to vector<1x1x16xi32>
    tpu.vector_store %arg6[%swap3A_142, %swap3A_143, %swap3A_144], %swap3A_147 {strides = array<i32>} : memref<1x8x64xi32, #tpu.memory_space<vmem>>, vector<1x1x16xi32>,
    %add3A_148 = arith.constant 0 : i32
    %add3A_149 = arith.addi %mul3A_2, %add3A_148 : i32
    %add3A_150 = arith.constant 32 : i32
    %add3A_151 = arith.addi %add3A_149, %add3A_150 : i32
    %add3A_152 = vector.broadcast %add3A_151 : i32 to vector<16xi32>
    %add3A_153 = arith.addi %add3A_152, %iota3A : vector<16xi32>
    %sub3A_154 = arith.subi %add3A_153, %gather3A_105 : vector<16xi32>
    %and3A_155 = arith.constant 2047 : i32
    %and3A_156 = vector.broadcast %and3A_155 : i32 to vector<16xi32>
    %and3A_157 = arith.andi %sub3A_154, %and3A_156 : vector<16xi32>
    %add3A_158 = arith.constant 2048 : i32
    %add3A_159 = vector.broadcast %add3A_158 : i32 to vector<16xi32>
    %add3A_160 = arith.addi %add3A_159, %and3A_157 : vector<16xi32>
    %swap3A_161 = arith.constant 0 : i32
    %swap3A_162 = arith.constant 1 : i32
    %swap3A_163 = arith.index_cast %swap3A_161 : i32 to index
    %swap3A_164 = arith.index_cast %swap3A_162 : i32 to index
    %swap3A_165 = arith.constant 32 : index
    %swap3A_166 = tpu.vector_load %arg6[%swap3A_163, %swap3A_164, %swap3A_165] {strides = array<i32>} : memref<1x8x64xi32, #tpu.memory_space<vmem>>, vector<1x1x16xi32>,
    %swap3A_167 = vector.shape_cast %swap3A_166 : vector<1x1x16xi32> to vector<16xi32>
    %swap3A_168 = vector.shape_cast %add3A_160 : vector<16xi32> to vector<1x1x16xi32>
    tpu.vector_store %arg6[%swap3A_163, %swap3A_164, %swap3A_165], %swap3A_168 {strides = array<i32>} : memref<1x8x64xi32, #tpu.memory_space<vmem>>, vector<1x1x16xi32>,
    %add3A_169 = arith.constant 0 : i32
    %add3A_170 = arith.addi %mul3A_2, %add3A_169 : i32
    %add3A_171 = arith.constant 48 : i32
    %add3A_172 = arith.addi %add3A_170, %add3A_171 : i32
    %add3A_173 = vector.broadcast %add3A_172 : i32 to vector<16xi32>
    %add3A_174 = arith.addi %add3A_173, %iota3A : vector<16xi32>
    %sub3A_175 = arith.subi %add3A_174, %gather3A_105 : vector<16xi32>
    %and3A_176 = arith.constant 2047 : i32
    %and3A_177 = vector.broadcast %and3A_176 : i32 to vector<16xi32>
    %and3A_178 = arith.andi %sub3A_175, %and3A_177 : vector<16xi32>
    %add3A_179 = arith.constant 2048 : i32
    %add3A_180 = vector.broadcast %add3A_179 : i32 to vector<16xi32>
    %add3A_181 = arith.addi %add3A_180, %and3A_178 : vector<16xi32>
    %swap3A_182 = arith.constant 0 : i32
    %swap3A_183 = arith.constant 1 : i32
    %swap3A_184 = arith.index_cast %swap3A_182 : i32 to index
    %swap3A_185 = arith.index_cast %swap3A_183 : i32 to index
    %swap3A_186 = arith.constant 48 : index
    %swap3A_187 = tpu.vector_load %arg6[%swap3A_184, %swap3A_185, %swap3A_186] {strides = array<i32>} : memref<1x8x64xi32, #tpu.memory_space<vmem>>, vector<1x1x16xi32>,
    %swap3A_188 = vector.shape_cast %swap3A_187 : vector<1x1x16xi32> to vector<16xi32>
    %swap3A_189 = vector.shape_cast %add3A_181 : vector<16xi32> to vector<1x1x16xi32>
    tpu.vector_store %arg6[%swap3A_184, %swap3A_185, %swap3A_186], %swap3A_189 {strides = array<i32>} : memref<1x8x64xi32, #tpu.memory_space<vmem>>, vector<1x1x16xi32>,
    %broadcast_in_dim3A_190 = arith.constant 2 : i32
    %broadcast_in_dim3A_191 = vector.broadcast %broadcast_in_dim3A_190 : i32 to vector<16x1xi32>
    %gather3A_192 = vector.shape_cast %broadcast_in_dim3A_191 : vector<16x1xi32> to vector<16xi32>
    %gather3A_193 = tpu.dynamic_gather %get3A_18[%gather3A_192] in [0] : vector<16xi32>, vector<16xi32> -> vector<16xi32>
    %add3A_194 = arith.constant 0 : i32
    %add3A_195 = arith.addi %mul3A_2, %add3A_194 : i32
    %add3A_196 = arith.constant 0 : i32
    %add3A_197 = arith.addi %add3A_195, %add3A_196 : i32
    %add3A_198 = vector.broadcast %add3A_197 : i32 to vector<16xi32>
    %add3A_199 = arith.addi %add3A_198, %iota3A : vector<16xi32>
    %sub3A_200 = arith.subi %add3A_199, %gather3A_193 : vector<16xi32>
    %and3A_201 = arith.constant 2047 : i32
    %and3A_202 = vector.broadcast %and3A_201 : i32 to vector<16xi32>
    %and3A_203 = arith.andi %sub3A_200, %and3A_202 : vector<16xi32>
    %add3A_204 = arith.constant 4096 : i32
    %add3A_205 = vector.broadcast %add3A_204 : i32 to vector<16xi32>
    %add3A_206 = arith.addi %add3A_205, %and3A_203 : vector<16xi32>
    %swap3A_207 = arith.constant 0 : i32
    %swap3A_208 = arith.constant 2 : i32
    %swap3A_209 = arith.index_cast %swap3A_207 : i32 to index
    %swap3A_210 = arith.index_cast %swap3A_208 : i32 to index
    %swap3A_211 = arith.constant 0 : index
    %swap3A_212 = tpu.vector_load %arg6[%swap3A_209, %swap3A_210, %swap3A_211] {strides = array<i32>} : memref<1x8x64xi32, #tpu.memory_space<vmem>>, vector<1x1x16xi32>,
    %swap3A_213 = vector.shape_cast %swap3A_212 : vector<1x1x16xi32> to vector<16xi32>
    %swap3A_214 = vector.shape_cast %add3A_206 : vector<16xi32> to vector<1x1x16xi32>
    tpu.vector_store %arg6[%swap3A_209, %swap3A_210, %swap3A_211], %swap3A_214 {strides = array<i32>} : memref<1x8x64xi32, #tpu.memory_space<vmem>>, vector<1x1x16xi32>,
    %add3A_215 = arith.constant 0 : i32
    %add3A_216 = arith.addi %mul3A_2, %add3A_215 : i32
    %add3A_217 = arith.constant 16 : i32
    %add3A_218 = arith.addi %add3A_216, %add3A_217 : i32
    %add3A_219 = vector.broadcast %add3A_218 : i32 to vector<16xi32>
    %add3A_220 = arith.addi %add3A_219, %iota3A : vector<16xi32>
    %sub3A_221 = arith.subi %add3A_220, %gather3A_193 : vector<16xi32>
    %and3A_222 = arith.constant 2047 : i32
    %and3A_223 = vector.broadcast %and3A_222 : i32 to vector<16xi32>
    %and3A_224 = arith.andi %sub3A_221, %and3A_223 : vector<16xi32>
    %add3A_225 = arith.constant 4096 : i32
    %add3A_226 = vector.broadcast %add3A_225 : i32 to vector<16xi32>
    %add3A_227 = arith.addi %add3A_226, %and3A_224 : vector<16xi32>
    %swap3A_228 = arith.constant 0 : i32
    %swap3A_229 = arith.constant 2 : i32
    %swap3A_230 = arith.index_cast %swap3A_228 : i32 to index
    %swap3A_231 = arith.index_cast %swap3A_229 : i32 to index
    %swap3A_232 = arith.constant 16 : index
    %swap3A_233 = tpu.vector_load %arg6[%swap3A_230, %swap3A_231, %swap3A_232] {strides = array<i32>} : memref<1x8x64xi32, #tpu.memory_space<vmem>>, vector<1x1x16xi32>,
    %swap3A_234 = vector.shape_cast %swap3A_233 : vector<1x1x16xi32> to vector<16xi32>
    %swap3A_235 = vector.shape_cast %add3A_227 : vector<16xi32> to vector<1x1x16xi32>
    tpu.vector_store %arg6[%swap3A_230, %swap3A_231, %swap3A_232], %swap3A_235 {strides = array<i32>} : memref<1x8x64xi32, #tpu.memory_space<vmem>>, vector<1x1x16xi32>,
    %add3A_236 = arith.constant 0 : i32
    %add3A_237 = arith.addi %mul3A_2, %add3A_236 : i32
    %add3A_238 = arith.constant 32 : i32
    %add3A_239 = arith.addi %add3A_237, %add3A_238 : i32
    %add3A_240 = vector.broadcast %add3A_239 : i32 to vector<16xi32>
    %add3A_241 = arith.addi %add3A_240, %iota3A : vector<16xi32>
    %sub3A_242 = arith.subi %add3A_241, %gather3A_193 : vector<16xi32>
    %and3A_243 = arith.constant 2047 : i32
    %and3A_244 = vector.broadcast %and3A_243 : i32 to vector<16xi32>
    %and3A_245 = arith.andi %sub3A_242, %and3A_244 : vector<16xi32>
    %add3A_246 = arith.constant 4096 : i32
    %add3A_247 = vector.broadcast %add3A_246 : i32 to vector<16xi32>
    %add3A_248 = arith.addi %add3A_247, %and3A_245 : vector<16xi32>
    %swap3A_249 = arith.constant 0 : i32
    %swap3A_250 = arith.constant 2 : i32
    %swap3A_251 = arith.index_cast %swap3A_249 : i32 to index
    %swap3A_252 = arith.index_cast %swap3A_250 : i32 to index
    %swap3A_253 = arith.constant 32 : index
    %swap3A_254 = tpu.vector_load %arg6[%swap3A_251, %swap3A_252, %swap3A_253] {strides = array<i32>} : memref<1x8x64xi32, #tpu.memory_space<vmem>>, vector<1x1x16xi32>,
    %swap3A_255 = vector.shape_cast %swap3A_254 : vector<1x1x16xi32> to vector<16xi32>
    %swap3A_256 = vector.shape_cast %add3A_248 : vector<16xi32> to vector<1x1x16xi32>
    tpu.vector_store %arg6[%swap3A_251, %swap3A_252, %swap3A_253], %swap3A_256 {strides = array<i32>} : memref<1x8x64xi32, #tpu.memory_space<vmem>>, vector<1x1x16xi32>,
    %add3A_257 = arith.constant 0 : i32
    %add3A_258 = arith.addi %mul3A_2, %add3A_257 : i32
    %add3A_259 = arith.constant 48 : i32
    %add3A_260 = arith.addi %add3A_258, %add3A_259 : i32
    %add3A_261 = vector.broadcast %add3A_260 : i32 to vector<16xi32>
    %add3A_262 = arith.addi %add3A_261, %iota3A : vector<16xi32>
    %sub3A_263 = arith.subi %add3A_262, %gather3A_193 : vector<16xi32>
    %and3A_264 = arith.constant 2047 : i32
    %and3A_265 = vector.broadcast %and3A_264 : i32 to vector<16xi32>
    %and3A_266 = arith.andi %sub3A_263, %and3A_265 : vector<16xi32>
    %add3A_267 = arith.constant 4096 : i32
    %add3A_268 = vector.broadcast %add3A_267 : i32 to vector<16xi32>
    %add3A_269 = arith.addi %add3A_268, %and3A_266 : vector<16xi32>
    %swap3A_270 = arith.constant 0 : i32
    %swap3A_271 = arith.constant 2 : i32
    %swap3A_272 = arith.index_cast %swap3A_270 : i32 to index
    %swap3A_273 = arith.index_cast %swap3A_271 : i32 to index
    %swap3A_274 = arith.constant 48 : index
    %swap3A_275 = tpu.vector_load %arg6[%swap3A_272, %swap3A_273, %swap3A_274] {strides = array<i32>} : memref<1x8x64xi32, #tpu.memory_space<vmem>>, vector<1x1x16xi32>,
    %swap3A_276 = vector.shape_cast %swap3A_275 : vector<1x1x16xi32> to vector<16xi32>
    %swap3A_277 = vector.shape_cast %add3A_269 : vector<16xi32> to vector<1x1x16xi32>
    tpu.vector_store %arg6[%swap3A_272, %swap3A_273, %swap3A_274], %swap3A_277 {strides = array<i32>} : memref<1x8x64xi32, #tpu.memory_space<vmem>>, vector<1x1x16xi32>,
    %broadcast_in_dim3A_278 = arith.constant 3 : i32
    %broadcast_in_dim3A_279 = vector.broadcast %broadcast_in_dim3A_278 : i32 to vector<16x1xi32>
    %gather3A_280 = vector.shape_cast %broadcast_in_dim3A_279 : vector<16x1xi32> to vector<16xi32>
    %gather3A_281 = tpu.dynamic_gather %get3A_18[%gather3A_280] in [0] : vector<16xi32>, vector<16xi32> -> vector<16xi32>
    %add3A_282 = arith.constant 0 : i32
    %add3A_283 = arith.addi %mul3A_2, %add3A_282 : i32
    %add3A_284 = arith.constant 0 : i32
    %add3A_285 = arith.addi %add3A_283, %add3A_284 : i32
    %add3A_286 = vector.broadcast %add3A_285 : i32 to vector<16xi32>
    %add3A_287 = arith.addi %add3A_286, %iota3A : vector<16xi32>
    %sub3A_288 = arith.subi %add3A_287, %gather3A_281 : vector<16xi32>
    %and3A_289 = arith.constant 2047 : i32
    %and3A_290 = vector.broadcast %and3A_289 : i32 to vector<16xi32>
    %and3A_291 = arith.andi %sub3A_288, %and3A_290 : vector<16xi32>
    %add3A_292 = arith.constant 6144 : i32
    %add3A_293 = vector.broadcast %add3A_292 : i32 to vector<16xi32>
    %add3A_294 = arith.addi %add3A_293, %and3A_291 : vector<16xi32>
    %swap3A_295 = arith.constant 0 : i32
    %swap3A_296 = arith.constant 3 : i32
    %swap3A_297 = arith.index_cast %swap3A_295 : i32 to index
    %swap3A_298 = arith.index_cast %swap3A_296 : i32 to index
    %swap3A_299 = arith.constant 0 : index
    %swap3A_300 = tpu.vector_load %arg6[%swap3A_297, %swap3A_298, %swap3A_299] {strides = array<i32>} : memref<1x8x64xi32, #tpu.memory_space<vmem>>, vector<1x1x16xi32>,
    %swap3A_301 = vector.shape_cast %swap3A_300 : vector<1x1x16xi32> to vector<16xi32>
    %swap3A_302 = vector.shape_cast %add3A_294 : vector<16xi32> to vector<1x1x16xi32>
    tpu.vector_store %arg6[%swap3A_297, %swap3A_298, %swap3A_299], %swap3A_302 {strides = array<i32>} : memref<1x8x64xi32, #tpu.memory_space<vmem>>, vector<1x1x16xi32>,
    %add3A_303 = arith.constant 0 : i32
    %add3A_304 = arith.addi %mul3A_2, %add3A_303 : i32
    %add3A_305 = arith.constant 16 : i32
    %add3A_306 = arith.addi %add3A_304, %add3A_305 : i32
    %add3A_307 = vector.broadcast %add3A_306 : i32 to vector<16xi32>
    %add3A_308 = arith.addi %add3A_307, %iota3A : vector<16xi32>
    %sub3A_309 = arith.subi %add3A_308, %gather3A_281 : vector<16xi32>
    %and3A_310 = arith.constant 2047 : i32
    %and3A_311 = vector.broadcast %and3A_310 : i32 to vector<16xi32>
    %and3A_312 = arith.andi %sub3A_309, %and3A_311 : vector<16xi32>
    %add3A_313 = arith.constant 6144 : i32
    %add3A_314 = vector.broadcast %add3A_313 : i32 to vector<16xi32>
    %add3A_315 = arith.addi %add3A_314, %and3A_312 : vector<16xi32>
    %swap3A_316 = arith.constant 0 : i32
    %swap3A_317 = arith.constant 3 : i32
    %swap3A_318 = arith.index_cast %swap3A_316 : i32 to index
    %swap3A_319 = arith.index_cast %swap3A_317 : i32 to index
    %swap3A_320 = arith.constant 16 : index
    %swap3A_321 = tpu.vector_load %arg6[%swap3A_318, %swap3A_319, %swap3A_320] {strides = array<i32>} : memref<1x8x64xi32, #tpu.memory_space<vmem>>, vector<1x1x16xi32>,
    %swap3A_322 = vector.shape_cast %swap3A_321 : vector<1x1x16xi32> to vector<16xi32>
    %swap3A_323 = vector.shape_cast %add3A_315 : vector<16xi32> to vector<1x1x16xi32>
    tpu.vector_store %arg6[%swap3A_318, %swap3A_319, %swap3A_320], %swap3A_323 {strides = array<i32>} : memref<1x8x64xi32, #tpu.memory_space<vmem>>, vector<1x1x16xi32>,
    %add3A_324 = arith.constant 0 : i32
    %add3A_325 = arith.addi %mul3A_2, %add3A_324 : i32
    %add3A_326 = arith.constant 32 : i32
    %add3A_327 = arith.addi %add3A_325, %add3A_326 : i32
    %add3A_328 = vector.broadcast %add3A_327 : i32 to vector<16xi32>
    %add3A_329 = arith.addi %add3A_328, %iota3A : vector<16xi32>
    %sub3A_330 = arith.subi %add3A_329, %gather3A_281 : vector<16xi32>
    %and3A_331 = arith.constant 2047 : i32
    %and3A_332 = vector.broadcast %and3A_331 : i32 to vector<16xi32>
    %and3A_333 = arith.andi %sub3A_330, %and3A_332 : vector<16xi32>
    %add3A_334 = arith.constant 6144 : i32
    %add3A_335 = vector.broadcast %add3A_334 : i32 to vector<16xi32>
    %add3A_336 = arith.addi %add3A_335, %and3A_333 : vector<16xi32>
    %swap3A_337 = arith.constant 0 : i32
    %swap3A_338 = arith.constant 3 : i32
    %swap3A_339 = arith.index_cast %swap3A_337 : i32 to index
    %swap3A_340 = arith.index_cast %swap3A_338 : i32 to index
    %swap3A_341 = arith.constant 32 : index
    %swap3A_342 = tpu.vector_load %arg6[%swap3A_339, %swap3A_340, %swap3A_341] {strides = array<i32>} : memref<1x8x64xi32, #tpu.memory_space<vmem>>, vector<1x1x16xi32>,
    %swap3A_343 = vector.shape_cast %swap3A_342 : vector<1x1x16xi32> to vector<16xi32>
    %swap3A_344 = vector.shape_cast %add3A_336 : vector<16xi32> to vector<1x1x16xi32>
    tpu.vector_store %arg6[%swap3A_339, %swap3A_340, %swap3A_341], %swap3A_344 {strides = array<i32>} : memref<1x8x64xi32, #tpu.memory_space<vmem>>, vector<1x1x16xi32>,
    %add3A_345 = arith.constant 0 : i32
    %add3A_346 = arith.addi %mul3A_2, %add3A_345 : i32
    %add3A_347 = arith.constant 48 : i32
    %add3A_348 = arith.addi %add3A_346, %add3A_347 : i32
    %add3A_349 = vector.broadcast %add3A_348 : i32 to vector<16xi32>
    %add3A_350 = arith.addi %add3A_349, %iota3A : vector<16xi32>
    %sub3A_351 = arith.subi %add3A_350, %gather3A_281 : vector<16xi32>
    %and3A_352 = arith.constant 2047 : i32
    %and3A_353 = vector.broadcast %and3A_352 : i32 to vector<16xi32>
    %and3A_354 = arith.andi %sub3A_351, %and3A_353 : vector<16xi32>
    %add3A_355 = arith.constant 6144 : i32
    %add3A_356 = vector.broadcast %add3A_355 : i32 to vector<16xi32>
    %add3A_357 = arith.addi %add3A_356, %and3A_354 : vector<16xi32>
    %swap3A_358 = arith.constant 0 : i32
    %swap3A_359 = arith.constant 3 : i32
    %swap3A_360 = arith.index_cast %swap3A_358 : i32 to index
    %swap3A_361 = arith.index_cast %swap3A_359 : i32 to index
    %swap3A_362 = arith.constant 48 : index
    %swap3A_363 = tpu.vector_load %arg6[%swap3A_360, %swap3A_361, %swap3A_362] {strides = array<i32>} : memref<1x8x64xi32, #tpu.memory_space<vmem>>, vector<1x1x16xi32>,
    %swap3A_364 = vector.shape_cast %swap3A_363 : vector<1x1x16xi32> to vector<16xi32>
    %swap3A_365 = vector.shape_cast %add3A_357 : vector<16xi32> to vector<1x1x16xi32>
    tpu.vector_store %arg6[%swap3A_360, %swap3A_361, %swap3A_362], %swap3A_365 {strides = array<i32>} : memref<1x8x64xi32, #tpu.memory_space<vmem>>, vector<1x1x16xi32>,
    %broadcast_in_dim3A_366 = arith.constant 4 : i32
    %broadcast_in_dim3A_367 = vector.broadcast %broadcast_in_dim3A_366 : i32 to vector<16x1xi32>
    %gather3A_368 = vector.shape_cast %broadcast_in_dim3A_367 : vector<16x1xi32> to vector<16xi32>
    %gather3A_369 = tpu.dynamic_gather %get3A_18[%gather3A_368] in [0] : vector<16xi32>, vector<16xi32> -> vector<16xi32>
    %add3A_370 = arith.constant 0 : i32
    %add3A_371 = arith.addi %mul3A_2, %add3A_370 : i32
    %add3A_372 = arith.constant 0 : i32
    %add3A_373 = arith.addi %add3A_371, %add3A_372 : i32
    %add3A_374 = vector.broadcast %add3A_373 : i32 to vector<16xi32>
    %add3A_375 = arith.addi %add3A_374, %iota3A : vector<16xi32>
    %sub3A_376 = arith.subi %add3A_375, %gather3A_369 : vector<16xi32>
    %and3A_377 = arith.constant 2047 : i32
    %and3A_378 = vector.broadcast %and3A_377 : i32 to vector<16xi32>
    %and3A_379 = arith.andi %sub3A_376, %and3A_378 : vector<16xi32>
    %add3A_380 = arith.constant 8192 : i32
    %add3A_381 = vector.broadcast %add3A_380 : i32 to vector<16xi32>
    %add3A_382 = arith.addi %add3A_381, %and3A_379 : vector<16xi32>
    %swap3A_383 = arith.constant 0 : i32
    %swap3A_384 = arith.constant 4 : i32
    %swap3A_385 = arith.index_cast %swap3A_383 : i32 to index
    %swap3A_386 = arith.index_cast %swap3A_384 : i32 to index
    %swap3A_387 = arith.constant 0 : index
    %swap3A_388 = tpu.vector_load %arg6[%swap3A_385, %swap3A_386, %swap3A_387] {strides = array<i32>} : memref<1x8x64xi32, #tpu.memory_space<vmem>>, vector<1x1x16xi32>,
    %swap3A_389 = vector.shape_cast %swap3A_388 : vector<1x1x16xi32> to vector<16xi32>
    %swap3A_390 = vector.shape_cast %add3A_382 : vector<16xi32> to vector<1x1x16xi32>
    tpu.vector_store %arg6[%swap3A_385, %swap3A_386, %swap3A_387], %swap3A_390 {strides = array<i32>} : memref<1x8x64xi32, #tpu.memory_space<vmem>>, vector<1x1x16xi32>,
    %add3A_391 = arith.constant 0 : i32
    %add3A_392 = arith.addi %mul3A_2, %add3A_391 : i32
    %add3A_393 = arith.constant 16 : i32
    %add3A_394 = arith.addi %add3A_392, %add3A_393 : i32
    %add3A_395 = vector.broadcast %add3A_394 : i32 to vector<16xi32>
    %add3A_396 = arith.addi %add3A_395, %iota3A : vector<16xi32>
    %sub3A_397 = arith.subi %add3A_396, %gather3A_369 : vector<16xi32>
    %and3A_398 = arith.constant 2047 : i32
    %and3A_399 = vector.broadcast %and3A_398 : i32 to vector<16xi32>
    %and3A_400 = arith.andi %sub3A_397, %and3A_399 : vector<16xi32>
    %add3A_401 = arith.constant 8192 : i32
    %add3A_402 = vector.broadcast %add3A_401 : i32 to vector<16xi32>
    %add3A_403 = arith.addi %add3A_402, %and3A_400 : vector<16xi32>
    %swap3A_404 = arith.constant 0 : i32
    %swap3A_405 = arith.constant 4 : i32
    %swap3A_406 = arith.index_cast %swap3A_404 : i32 to index
    %swap3A_407 = arith.index_cast %swap3A_405 : i32 to index
    %swap3A_408 = arith.constant 16 : index
    %swap3A_409 = tpu.vector_load %arg6[%swap3A_406, %swap3A_407, %swap3A_408] {strides = array<i32>} : memref<1x8x64xi32, #tpu.memory_space<vmem>>, vector<1x1x16xi32>,
    %swap3A_410 = vector.shape_cast %swap3A_409 : vector<1x1x16xi32> to vector<16xi32>
    %swap3A_411 = vector.shape_cast %add3A_403 : vector<16xi32> to vector<1x1x16xi32>
    tpu.vector_store %arg6[%swap3A_406, %swap3A_407, %swap3A_408], %swap3A_411 {strides = array<i32>} : memref<1x8x64xi32, #tpu.memory_space<vmem>>, vector<1x1x16xi32>,
    %add3A_412 = arith.constant 0 : i32
    %add3A_413 = arith.addi %mul3A_2, %add3A_412 : i32
    %add3A_414 = arith.constant 32 : i32
    %add3A_415 = arith.addi %add3A_413, %add3A_414 : i32
    %add3A_416 = vector.broadcast %add3A_415 : i32 to vector<16xi32>
    %add3A_417 = arith.addi %add3A_416, %iota3A : vector<16xi32>
    %sub3A_418 = arith.subi %add3A_417, %gather3A_369 : vector<16xi32>
    %and3A_419 = arith.constant 2047 : i32
    %and3A_420 = vector.broadcast %and3A_419 : i32 to vector<16xi32>
    %and3A_421 = arith.andi %sub3A_418, %and3A_420 : vector<16xi32>
    %add3A_422 = arith.constant 8192 : i32
    %add3A_423 = vector.broadcast %add3A_422 : i32 to vector<16xi32>
    %add3A_424 = arith.addi %add3A_423, %and3A_421 : vector<16xi32>
    %swap3A_425 = arith.constant 0 : i32
    %swap3A_426 = arith.constant 4 : i32
    %swap3A_427 = arith.index_cast %swap3A_425 : i32 to index
    %swap3A_428 = arith.index_cast %swap3A_426 : i32 to index
    %swap3A_429 = arith.constant 32 : index
    %swap3A_430 = tpu.vector_load %arg6[%swap3A_427, %swap3A_428, %swap3A_429] {strides = array<i32>} : memref<1x8x64xi32, #tpu.memory_space<vmem>>, vector<1x1x16xi32>,
    %swap3A_431 = vector.shape_cast %swap3A_430 : vector<1x1x16xi32> to vector<16xi32>
    %swap3A_432 = vector.shape_cast %add3A_424 : vector<16xi32> to vector<1x1x16xi32>
    tpu.vector_store %arg6[%swap3A_427, %swap3A_428, %swap3A_429], %swap3A_432 {strides = array<i32>} : memref<1x8x64xi32, #tpu.memory_space<vmem>>, vector<1x1x16xi32>,
    %add3A_433 = arith.constant 0 : i32
    %add3A_434 = arith.addi %mul3A_2, %add3A_433 : i32
    %add3A_435 = arith.constant 48 : i32
    %add3A_436 = arith.addi %add3A_434, %add3A_435 : i32
    %add3A_437 = vector.broadcast %add3A_436 : i32 to vector<16xi32>
    %add3A_438 = arith.addi %add3A_437, %iota3A : vector<16xi32>
    %sub3A_439 = arith.subi %add3A_438, %gather3A_369 : vector<16xi32>
    %and3A_440 = arith.constant 2047 : i32
    %and3A_441 = vector.broadcast %and3A_440 : i32 to vector<16xi32>
    %and3A_442 = arith.andi %sub3A_439, %and3A_441 : vector<16xi32>
    %add3A_443 = arith.constant 8192 : i32
    %add3A_444 = vector.broadcast %add3A_443 : i32 to vector<16xi32>
    %add3A_445 = arith.addi %add3A_444, %and3A_442 : vector<16xi32>
    %swap3A_446 = arith.constant 0 : i32
    %swap3A_447 = arith.constant 4 : i32
    %swap3A_448 = arith.index_cast %swap3A_446 : i32 to index
    %swap3A_449 = arith.index_cast %swap3A_447 : i32 to index
    %swap3A_450 = arith.constant 48 : index
    %swap3A_451 = tpu.vector_load %arg6[%swap3A_448, %swap3A_449, %swap3A_450] {strides = array<i32>} : memref<1x8x64xi32, #tpu.memory_space<vmem>>, vector<1x1x16xi32>,
    %swap3A_452 = vector.shape_cast %swap3A_451 : vector<1x1x16xi32> to vector<16xi32>
    %swap3A_453 = vector.shape_cast %add3A_445 : vector<16xi32> to vector<1x1x16xi32>
    tpu.vector_store %arg6[%swap3A_448, %swap3A_449, %swap3A_450], %swap3A_453 {strides = array<i32>} : memref<1x8x64xi32, #tpu.memory_space<vmem>>, vector<1x1x16xi32>,
    %broadcast_in_dim3A_454 = arith.constant 5 : i32
    %broadcast_in_dim3A_455 = vector.broadcast %broadcast_in_dim3A_454 : i32 to vector<16x1xi32>
    %gather3A_456 = vector.shape_cast %broadcast_in_dim3A_455 : vector<16x1xi32> to vector<16xi32>
    %gather3A_457 = tpu.dynamic_gather %get3A_18[%gather3A_456] in [0] : vector<16xi32>, vector<16xi32> -> vector<16xi32>
    %add3A_458 = arith.constant 0 : i32
    %add3A_459 = arith.addi %mul3A_2, %add3A_458 : i32
    %add3A_460 = arith.constant 0 : i32
    %add3A_461 = arith.addi %add3A_459, %add3A_460 : i32
    %add3A_462 = vector.broadcast %add3A_461 : i32 to vector<16xi32>
    %add3A_463 = arith.addi %add3A_462, %iota3A : vector<16xi32>
    %sub3A_464 = arith.subi %add3A_463, %gather3A_457 : vector<16xi32>
    %and3A_465 = arith.constant 2047 : i32
    %and3A_466 = vector.broadcast %and3A_465 : i32 to vector<16xi32>
    %and3A_467 = arith.andi %sub3A_464, %and3A_466 : vector<16xi32>
    %add3A_468 = arith.constant 10240 : i32
    %add3A_469 = vector.broadcast %add3A_468 : i32 to vector<16xi32>
    %add3A_470 = arith.addi %add3A_469, %and3A_467 : vector<16xi32>
    %swap3A_471 = arith.constant 0 : i32
    %swap3A_472 = arith.constant 5 : i32
    %swap3A_473 = arith.index_cast %swap3A_471 : i32 to index
    %swap3A_474 = arith.index_cast %swap3A_472 : i32 to index
    %swap3A_475 = arith.constant 0 : index
    %swap3A_476 = tpu.vector_load %arg6[%swap3A_473, %swap3A_474, %swap3A_475] {strides = array<i32>} : memref<1x8x64xi32, #tpu.memory_space<vmem>>, vector<1x1x16xi32>,
    %swap3A_477 = vector.shape_cast %swap3A_476 : vector<1x1x16xi32> to vector<16xi32>
    %swap3A_478 = vector.shape_cast %add3A_470 : vector<16xi32> to vector<1x1x16xi32>
    tpu.vector_store %arg6[%swap3A_473, %swap3A_474, %swap3A_475], %swap3A_478 {strides = array<i32>} : memref<1x8x64xi32, #tpu.memory_space<vmem>>, vector<1x1x16xi32>,
    %add3A_479 = arith.constant 0 : i32
    %add3A_480 = arith.addi %mul3A_2, %add3A_479 : i32
    %add3A_481 = arith.constant 16 : i32
    %add3A_482 = arith.addi %add3A_480, %add3A_481 : i32
    %add3A_483 = vector.broadcast %add3A_482 : i32 to vector<16xi32>
    %add3A_484 = arith.addi %add3A_483, %iota3A : vector<16xi32>
    %sub3A_485 = arith.subi %add3A_484, %gather3A_457 : vector<16xi32>
    %and3A_486 = arith.constant 2047 : i32
    %and3A_487 = vector.broadcast %and3A_486 : i32 to vector<16xi32>
    %and3A_488 = arith.andi %sub3A_485, %and3A_487 : vector<16xi32>
    %add3A_489 = arith.constant 10240 : i32
    %add3A_490 = vector.broadcast %add3A_489 : i32 to vector<16xi32>
    %add3A_491 = arith.addi %add3A_490, %and3A_488 : vector<16xi32>
    %swap3A_492 = arith.constant 0 : i32
    %swap3A_493 = arith.constant 5 : i32
    %swap3A_494 = arith.index_cast %swap3A_492 : i32 to index
    %swap3A_495 = arith.index_cast %swap3A_493 : i32 to index
    %swap3A_496 = arith.constant 16 : index
    %swap3A_497 = tpu.vector_load %arg6[%swap3A_494, %swap3A_495, %swap3A_496] {strides = array<i32>} : memref<1x8x64xi32, #tpu.memory_space<vmem>>, vector<1x1x16xi32>,
    %swap3A_498 = vector.shape_cast %swap3A_497 : vector<1x1x16xi32> to vector<16xi32>
    %swap3A_499 = vector.shape_cast %add3A_491 : vector<16xi32> to vector<1x1x16xi32>
    tpu.vector_store %arg6[%swap3A_494, %swap3A_495, %swap3A_496], %swap3A_499 {strides = array<i32>} : memref<1x8x64xi32, #tpu.memory_space<vmem>>, vector<1x1x16xi32>,
    %add3A_500 = arith.constant 0 : i32
    %add3A_501 = arith.addi %mul3A_2, %add3A_500 : i32
    %add3A_502 = arith.constant 32 : i32
    %add3A_503 = arith.addi %add3A_501, %add3A_502 : i32
    %add3A_504 = vector.broadcast %add3A_503 : i32 to vector<16xi32>
    %add3A_505 = arith.addi %add3A_504, %iota3A : vector<16xi32>
    %sub3A_506 = arith.subi %add3A_505, %gather3A_457 : vector<16xi32>
    %and3A_507 = arith.constant 2047 : i32
    %and3A_508 = vector.broadcast %and3A_507 : i32 to vector<16xi32>
    %and3A_509 = arith.andi %sub3A_506, %and3A_508 : vector<16xi32>
    %add3A_510 = arith.constant 10240 : i32
    %add3A_511 = vector.broadcast %add3A_510 : i32 to vector<16xi32>
    %add3A_512 = arith.addi %add3A_511, %and3A_509 : vector<16xi32>
    %swap3A_513 = arith.constant 0 : i32
    %swap3A_514 = arith.constant 5 : i32
    %swap3A_515 = arith.index_cast %swap3A_513 : i32 to index
    %swap3A_516 = arith.index_cast %swap3A_514 : i32 to index
    %swap3A_517 = arith.constant 32 : index
    %swap3A_518 = tpu.vector_load %arg6[%swap3A_515, %swap3A_516, %swap3A_517] {strides = array<i32>} : memref<1x8x64xi32, #tpu.memory_space<vmem>>, vector<1x1x16xi32>,
    %swap3A_519 = vector.shape_cast %swap3A_518 : vector<1x1x16xi32> to vector<16xi32>
    %swap3A_520 = vector.shape_cast %add3A_512 : vector<16xi32> to vector<1x1x16xi32>
    tpu.vector_store %arg6[%swap3A_515, %swap3A_516, %swap3A_517], %swap3A_520 {strides = array<i32>} : memref<1x8x64xi32, #tpu.memory_space<vmem>>, vector<1x1x16xi32>,
    %add3A_521 = arith.constant 0 : i32
    %add3A_522 = arith.addi %mul3A_2, %add3A_521 : i32
    %add3A_523 = arith.constant 48 : i32
    %add3A_524 = arith.addi %add3A_522, %add3A_523 : i32
    %add3A_525 = vector.broadcast %add3A_524 : i32 to vector<16xi32>
    %add3A_526 = arith.addi %add3A_525, %iota3A : vector<16xi32>
    %sub3A_527 = arith.subi %add3A_526, %gather3A_457 : vector<16xi32>
    %and3A_528 = arith.constant 2047 : i32
    %and3A_529 = vector.broadcast %and3A_528 : i32 to vector<16xi32>
    %and3A_530 = arith.andi %sub3A_527, %and3A_529 : vector<16xi32>
    %add3A_531 = arith.constant 10240 : i32
    %add3A_532 = vector.broadcast %add3A_531 : i32 to vector<16xi32>
    %add3A_533 = arith.addi %add3A_532, %and3A_530 : vector<16xi32>
    %swap3A_534 = arith.constant 0 : i32
    %swap3A_535 = arith.constant 5 : i32
    %swap3A_536 = arith.index_cast %swap3A_534 : i32 to index
    %swap3A_537 = arith.index_cast %swap3A_535 : i32 to index
    %swap3A_538 = arith.constant 48 : index
    %swap3A_539 = tpu.vector_load %arg6[%swap3A_536, %swap3A_537, %swap3A_538] {strides = array<i32>} : memref<1x8x64xi32, #tpu.memory_space<vmem>>, vector<1x1x16xi32>,
    %swap3A_540 = vector.shape_cast %swap3A_539 : vector<1x1x16xi32> to vector<16xi32>
    %swap3A_541 = vector.shape_cast %add3A_533 : vector<16xi32> to vector<1x1x16xi32>
    tpu.vector_store %arg6[%swap3A_536, %swap3A_537, %swap3A_538], %swap3A_541 {strides = array<i32>} : memref<1x8x64xi32, #tpu.memory_space<vmem>>, vector<1x1x16xi32>,
    %broadcast_in_dim3A_542 = arith.constant 6 : i32
    %broadcast_in_dim3A_543 = vector.broadcast %broadcast_in_dim3A_542 : i32 to vector<16x1xi32>
    %gather3A_544 = vector.shape_cast %broadcast_in_dim3A_543 : vector<16x1xi32> to vector<16xi32>
    %gather3A_545 = tpu.dynamic_gather %get3A_18[%gather3A_544] in [0] : vector<16xi32>, vector<16xi32> -> vector<16xi32>
    %add3A_546 = arith.constant 0 : i32
    %add3A_547 = arith.addi %mul3A_2, %add3A_546 : i32
    %add3A_548 = arith.constant 0 : i32
    %add3A_549 = arith.addi %add3A_547, %add3A_548 : i32
    %add3A_550 = vector.broadcast %add3A_549 : i32 to vector<16xi32>
    %add3A_551 = arith.addi %add3A_550, %iota3A : vector<16xi32>
    %sub3A_552 = arith.subi %add3A_551, %gather3A_545 : vector<16xi32>
    %and3A_553 = arith.constant 2047 : i32
    %and3A_554 = vector.broadcast %and3A_553 : i32 to vector<16xi32>
    %and3A_555 = arith.andi %sub3A_552, %and3A_554 : vector<16xi32>
    %add3A_556 = arith.constant 12288 : i32
    %add3A_557 = vector.broadcast %add3A_556 : i32 to vector<16xi32>
    %add3A_558 = arith.addi %add3A_557, %and3A_555 : vector<16xi32>
    %swap3A_559 = arith.constant 0 : i32
    %swap3A_560 = arith.constant 6 : i32
    %swap3A_561 = arith.index_cast %swap3A_559 : i32 to index
    %swap3A_562 = arith.index_cast %swap3A_560 : i32 to index
    %swap3A_563 = arith.constant 0 : index
    %swap3A_564 = tpu.vector_load %arg6[%swap3A_561, %swap3A_562, %swap3A_563] {strides = array<i32>} : memref<1x8x64xi32, #tpu.memory_space<vmem>>, vector<1x1x16xi32>,
    %swap3A_565 = vector.shape_cast %swap3A_564 : vector<1x1x16xi32> to vector<16xi32>
    %swap3A_566 = vector.shape_cast %add3A_558 : vector<16xi32> to vector<1x1x16xi32>
    tpu.vector_store %arg6[%swap3A_561, %swap3A_562, %swap3A_563], %swap3A_566 {strides = array<i32>} : memref<1x8x64xi32, #tpu.memory_space<vmem>>, vector<1x1x16xi32>,
    %add3A_567 = arith.constant 0 : i32
    %add3A_568 = arith.addi %mul3A_2, %add3A_567 : i32
    %add3A_569 = arith.constant 16 : i32
    %add3A_570 = arith.addi %add3A_568, %add3A_569 : i32
    %add3A_571 = vector.broadcast %add3A_570 : i32 to vector<16xi32>
    %add3A_572 = arith.addi %add3A_571, %iota3A : vector<16xi32>
    %sub3A_573 = arith.subi %add3A_572, %gather3A_545 : vector<16xi32>
    %and3A_574 = arith.constant 2047 : i32
    %and3A_575 = vector.broadcast %and3A_574 : i32 to vector<16xi32>
    %and3A_576 = arith.andi %sub3A_573, %and3A_575 : vector<16xi32>
    %add3A_577 = arith.constant 12288 : i32
    %add3A_578 = vector.broadcast %add3A_577 : i32 to vector<16xi32>
    %add3A_579 = arith.addi %add3A_578, %and3A_576 : vector<16xi32>
    %swap3A_580 = arith.constant 0 : i32
    %swap3A_581 = arith.constant 6 : i32
    %swap3A_582 = arith.index_cast %swap3A_580 : i32 to index
    %swap3A_583 = arith.index_cast %swap3A_581 : i32 to index
    %swap3A_584 = arith.constant 16 : index
    %swap3A_585 = tpu.vector_load %arg6[%swap3A_582, %swap3A_583, %swap3A_584] {strides = array<i32>} : memref<1x8x64xi32, #tpu.memory_space<vmem>>, vector<1x1x16xi32>,
    %swap3A_586 = vector.shape_cast %swap3A_585 : vector<1x1x16xi32> to vector<16xi32>
    %swap3A_587 = vector.shape_cast %add3A_579 : vector<16xi32> to vector<1x1x16xi32>
    tpu.vector_store %arg6[%swap3A_582, %swap3A_583, %swap3A_584], %swap3A_587 {strides = array<i32>} : memref<1x8x64xi32, #tpu.memory_space<vmem>>, vector<1x1x16xi32>,
    %add3A_588 = arith.constant 0 : i32
    %add3A_589 = arith.addi %mul3A_2, %add3A_588 : i32
    %add3A_590 = arith.constant 32 : i32
    %add3A_591 = arith.addi %add3A_589, %add3A_590 : i32
    %add3A_592 = vector.broadcast %add3A_591 : i32 to vector<16xi32>
    %add3A_593 = arith.addi %add3A_592, %iota3A : vector<16xi32>
    %sub3A_594 = arith.subi %add3A_593, %gather3A_545 : vector<16xi32>
    %and3A_595 = arith.constant 2047 : i32
    %and3A_596 = vector.broadcast %and3A_595 : i32 to vector<16xi32>
    %and3A_597 = arith.andi %sub3A_594, %and3A_596 : vector<16xi32>
    %add3A_598 = arith.constant 12288 : i32
    %add3A_599 = vector.broadcast %add3A_598 : i32 to vector<16xi32>
    %add3A_600 = arith.addi %add3A_599, %and3A_597 : vector<16xi32>
    %swap3A_601 = arith.constant 0 : i32
    %swap3A_602 = arith.constant 6 : i32
    %swap3A_603 = arith.index_cast %swap3A_601 : i32 to index
    %swap3A_604 = arith.index_cast %swap3A_602 : i32 to index
    %swap3A_605 = arith.constant 32 : index
    %swap3A_606 = tpu.vector_load %arg6[%swap3A_603, %swap3A_604, %swap3A_605] {strides = array<i32>} : memref<1x8x64xi32, #tpu.memory_space<vmem>>, vector<1x1x16xi32>,
    %swap3A_607 = vector.shape_cast %swap3A_606 : vector<1x1x16xi32> to vector<16xi32>
    %swap3A_608 = vector.shape_cast %add3A_600 : vector<16xi32> to vector<1x1x16xi32>
    tpu.vector_store %arg6[%swap3A_603, %swap3A_604, %swap3A_605], %swap3A_608 {strides = array<i32>} : memref<1x8x64xi32, #tpu.memory_space<vmem>>, vector<1x1x16xi32>,
    %add3A_609 = arith.constant 0 : i32
    %add3A_610 = arith.addi %mul3A_2, %add3A_609 : i32
    %add3A_611 = arith.constant 48 : i32
    %add3A_612 = arith.addi %add3A_610, %add3A_611 : i32
    %add3A_613 = vector.broadcast %add3A_612 : i32 to vector<16xi32>
    %add3A_614 = arith.addi %add3A_613, %iota3A : vector<16xi32>
    %sub3A_615 = arith.subi %add3A_614, %gather3A_545 : vector<16xi32>
    %and3A_616 = arith.constant 2047 : i32
    %and3A_617 = vector.broadcast %and3A_616 : i32 to vector<16xi32>
    %and3A_618 = arith.andi %sub3A_615, %and3A_617 : vector<16xi32>
    %add3A_619 = arith.constant 12288 : i32
    %add3A_620 = vector.broadcast %add3A_619 : i32 to vector<16xi32>
    %add3A_621 = arith.addi %add3A_620, %and3A_618 : vector<16xi32>
    %swap3A_622 = arith.constant 0 : i32
    %swap3A_623 = arith.constant 6 : i32
    %swap3A_624 = arith.index_cast %swap3A_622 : i32 to index
    %swap3A_625 = arith.index_cast %swap3A_623 : i32 to index
    %swap3A_626 = arith.constant 48 : index
    %swap3A_627 = tpu.vector_load %arg6[%swap3A_624, %swap3A_625, %swap3A_626] {strides = array<i32>} : memref<1x8x64xi32, #tpu.memory_space<vmem>>, vector<1x1x16xi32>,
    %swap3A_628 = vector.shape_cast %swap3A_627 : vector<1x1x16xi32> to vector<16xi32>
    %swap3A_629 = vector.shape_cast %add3A_621 : vector<16xi32> to vector<1x1x16xi32>
    tpu.vector_store %arg6[%swap3A_624, %swap3A_625, %swap3A_626], %swap3A_629 {strides = array<i32>} : memref<1x8x64xi32, #tpu.memory_space<vmem>>, vector<1x1x16xi32>,
    %broadcast_in_dim3A_630 = arith.constant 7 : i32
    %broadcast_in_dim3A_631 = vector.broadcast %broadcast_in_dim3A_630 : i32 to vector<16x1xi32>
    %gather3A_632 = vector.shape_cast %broadcast_in_dim3A_631 : vector<16x1xi32> to vector<16xi32>
    %gather3A_633 = tpu.dynamic_gather %get3A_18[%gather3A_632] in [0] : vector<16xi32>, vector<16xi32> -> vector<16xi32>
    %add3A_634 = arith.constant 0 : i32
    %add3A_635 = arith.addi %mul3A_2, %add3A_634 : i32
    %add3A_636 = arith.constant 0 : i32
    %add3A_637 = arith.addi %add3A_635, %add3A_636 : i32
    %add3A_638 = vector.broadcast %add3A_637 : i32 to vector<16xi32>
    %add3A_639 = arith.addi %add3A_638, %iota3A : vector<16xi32>
    %sub3A_640 = arith.subi %add3A_639, %gather3A_633 : vector<16xi32>
    %and3A_641 = arith.constant 2047 : i32
    %and3A_642 = vector.broadcast %and3A_641 : i32 to vector<16xi32>
    %and3A_643 = arith.andi %sub3A_640, %and3A_642 : vector<16xi32>
    %add3A_644 = arith.constant 14336 : i32
    %add3A_645 = vector.broadcast %add3A_644 : i32 to vector<16xi32>
    %add3A_646 = arith.addi %add3A_645, %and3A_643 : vector<16xi32>
    %swap3A_647 = arith.constant 0 : i32
    %swap3A_648 = arith.constant 7 : i32
    %swap3A_649 = arith.index_cast %swap3A_647 : i32 to index
    %swap3A_650 = arith.index_cast %swap3A_648 : i32 to index
    %swap3A_651 = arith.constant 0 : index
    %swap3A_652 = tpu.vector_load %arg6[%swap3A_649, %swap3A_650, %swap3A_651] {strides = array<i32>} : memref<1x8x64xi32, #tpu.memory_space<vmem>>, vector<1x1x16xi32>,
    %swap3A_653 = vector.shape_cast %swap3A_652 : vector<1x1x16xi32> to vector<16xi32>
    %swap3A_654 = vector.shape_cast %add3A_646 : vector<16xi32> to vector<1x1x16xi32>
    tpu.vector_store %arg6[%swap3A_649, %swap3A_650, %swap3A_651], %swap3A_654 {strides = array<i32>} : memref<1x8x64xi32, #tpu.memory_space<vmem>>, vector<1x1x16xi32>,
    %add3A_655 = arith.constant 0 : i32
    %add3A_656 = arith.addi %mul3A_2, %add3A_655 : i32
    %add3A_657 = arith.constant 16 : i32
    %add3A_658 = arith.addi %add3A_656, %add3A_657 : i32
    %add3A_659 = vector.broadcast %add3A_658 : i32 to vector<16xi32>
    %add3A_660 = arith.addi %add3A_659, %iota3A : vector<16xi32>
    %sub3A_661 = arith.subi %add3A_660, %gather3A_633 : vector<16xi32>
    %and3A_662 = arith.constant 2047 : i32
    %and3A_663 = vector.broadcast %and3A_662 : i32 to vector<16xi32>
    %and3A_664 = arith.andi %sub3A_661, %and3A_663 : vector<16xi32>
    %add3A_665 = arith.constant 14336 : i32
    %add3A_666 = vector.broadcast %add3A_665 : i32 to vector<16xi32>
    %add3A_667 = arith.addi %add3A_666, %and3A_664 : vector<16xi32>
    %swap3A_668 = arith.constant 0 : i32
    %swap3A_669 = arith.constant 7 : i32
    %swap3A_670 = arith.index_cast %swap3A_668 : i32 to index
    %swap3A_671 = arith.index_cast %swap3A_669 : i32 to index
    %swap3A_672 = arith.constant 16 : index
    %swap3A_673 = tpu.vector_load %arg6[%swap3A_670, %swap3A_671, %swap3A_672] {strides = array<i32>} : memref<1x8x64xi32, #tpu.memory_space<vmem>>, vector<1x1x16xi32>,
    %swap3A_674 = vector.shape_cast %swap3A_673 : vector<1x1x16xi32> to vector<16xi32>
    %swap3A_675 = vector.shape_cast %add3A_667 : vector<16xi32> to vector<1x1x16xi32>
    tpu.vector_store %arg6[%swap3A_670, %swap3A_671, %swap3A_672], %swap3A_675 {strides = array<i32>} : memref<1x8x64xi32, #tpu.memory_space<vmem>>, vector<1x1x16xi32>,
    %add3A_676 = arith.constant 0 : i32
    %add3A_677 = arith.addi %mul3A_2, %add3A_676 : i32
    %add3A_678 = arith.constant 32 : i32
    %add3A_679 = arith.addi %add3A_677, %add3A_678 : i32
    %add3A_680 = vector.broadcast %add3A_679 : i32 to vector<16xi32>
    %add3A_681 = arith.addi %add3A_680, %iota3A : vector<16xi32>
    %sub3A_682 = arith.subi %add3A_681, %gather3A_633 : vector<16xi32>
    %and3A_683 = arith.constant 2047 : i32
    %and3A_684 = vector.broadcast %and3A_683 : i32 to vector<16xi32>
    %and3A_685 = arith.andi %sub3A_682, %and3A_684 : vector<16xi32>
    %add3A_686 = arith.constant 14336 : i32
    %add3A_687 = vector.broadcast %add3A_686 : i32 to vector<16xi32>
    %add3A_688 = arith.addi %add3A_687, %and3A_685 : vector<16xi32>
    %swap3A_689 = arith.constant 0 : i32
    %swap3A_690 = arith.constant 7 : i32
    %swap3A_691 = arith.index_cast %swap3A_689 : i32 to index
    %swap3A_692 = arith.index_cast %swap3A_690 : i32 to index
    %swap3A_693 = arith.constant 32 : index
    %swap3A_694 = tpu.vector_load %arg6[%swap3A_691, %swap3A_692, %swap3A_693] {strides = array<i32>} : memref<1x8x64xi32, #tpu.memory_space<vmem>>, vector<1x1x16xi32>,
    %swap3A_695 = vector.shape_cast %swap3A_694 : vector<1x1x16xi32> to vector<16xi32>
    %swap3A_696 = vector.shape_cast %add3A_688 : vector<16xi32> to vector<1x1x16xi32>
    tpu.vector_store %arg6[%swap3A_691, %swap3A_692, %swap3A_693], %swap3A_696 {strides = array<i32>} : memref<1x8x64xi32, #tpu.memory_space<vmem>>, vector<1x1x16xi32>,
    %add3A_697 = arith.constant 0 : i32
    %add3A_698 = arith.addi %mul3A_2, %add3A_697 : i32
    %add3A_699 = arith.constant 48 : i32
    %add3A_700 = arith.addi %add3A_698, %add3A_699 : i32
    %add3A_701 = vector.broadcast %add3A_700 : i32 to vector<16xi32>
    %add3A_702 = arith.addi %add3A_701, %iota3A : vector<16xi32>
    %sub3A_703 = arith.subi %add3A_702, %gather3A_633 : vector<16xi32>
    %and3A_704 = arith.constant 2047 : i32
    %and3A_705 = vector.broadcast %and3A_704 : i32 to vector<16xi32>
    %and3A_706 = arith.andi %sub3A_703, %and3A_705 : vector<16xi32>
    %add3A_707 = arith.constant 14336 : i32
    %add3A_708 = vector.broadcast %add3A_707 : i32 to vector<16xi32>
    %add3A_709 = arith.addi %add3A_708, %and3A_706 : vector<16xi32>
    %swap3A_710 = arith.constant 0 : i32
    %swap3A_711 = arith.constant 7 : i32
    %swap3A_712 = arith.index_cast %swap3A_710 : i32 to index
    %swap3A_713 = arith.index_cast %swap3A_711 : i32 to index
    %swap3A_714 = arith.constant 48 : index
    %swap3A_715 = tpu.vector_load %arg6[%swap3A_712, %swap3A_713, %swap3A_714] {strides = array<i32>} : memref<1x8x64xi32, #tpu.memory_space<vmem>>, vector<1x1x16xi32>,
    %swap3A_716 = vector.shape_cast %swap3A_715 : vector<1x1x16xi32> to vector<16xi32>
    %swap3A_717 = vector.shape_cast %add3A_709 : vector<16xi32> to vector<1x1x16xi32>
    tpu.vector_store %arg6[%swap3A_712, %swap3A_713, %swap3A_714], %swap3A_717 {strides = array<i32>} : memref<1x8x64xi32, #tpu.memory_space<vmem>>, vector<1x1x16xi32>,
    %dma_wait3A = arith.constant 0 : i32
    %dma_wait3A_718 = arith.constant 0 : i32
    %dma_wait3A_719 = arith.constant 0 : i32
    %dma_wait3A_720 = tpu.memref_slice %arg7[%dma_wait3A, %dma_wait3A_718, %dma_wait3A_719] : memref<1x64x1024xf32, #tpu.memory_space<vmem>> -> memref<1x64x1024xf32, #tpu.memory_space<vmem>>
    %dma_wait3A_721 = tpu.memref_squeeze %dma_wait3A_720 : memref<1x64x1024xf32, #tpu.memory_space<vmem>> -> memref<64x1024xf32, #tpu.memory_space<vmem>>
    %dma_wait3A_722 = arith.constant 0 : i32
    %dma_wait3A_723 = tpu.memref_slice %arg3[%multiple_of3A, %dma_wait3A_722] : memref<2048x1024xf32, #tpu.memory_space<hbm>> -> memref<64x1024xf32, #tpu.memory_space<hbm>>
    %dma_wait3A_724 = arith.constant 0 : i32
    %dma_wait3A_725 = arith.constant 0 : i32
    %dma_wait3A_726 = tpu.memref_slice %arg7[%dma_wait3A, %dma_wait3A_724, %dma_wait3A_725] : memref<1x64x1024xf32, #tpu.memory_space<vmem>> -> memref<1x64x1024xf32, #tpu.memory_space<vmem>>
    %dma_wait3A_727 = tpu.memref_squeeze %dma_wait3A_726 : memref<1x64x1024xf32, #tpu.memory_space<vmem>> -> memref<64x1024xf32, #tpu.memory_space<vmem>>
    %dma_wait3A_728 = arith.constant 0 : i32
    %dma_wait3A_729 = tpu.memref_slice %arg3[%multiple_of3A, %dma_wait3A_728] : memref<2048x1024xf32, #tpu.memory_space<hbm>> -> memref<64x1024xf32, #tpu.memory_space<hbm>>
    tpu.wait_dma2 semaphore(%arg8 : memref<!tpu.dma_semaphore, #tpu.memory_space<semaphore_mem>>) src(%dma_wait3A_729 : memref<64x1024xf32, #tpu.memory_space<hbm>>) dst(%dma_wait3A_727 : memref<64x1024xf32, #tpu.memory_space<vmem>>)
    %dma_start3A_730 = arith.constant 0 : i32
    %dma_start3A_731 = arith.constant 0 : i32
    %dma_start3A_732 = arith.constant 0 : i32
    %dma_start3A_733 = arith.constant 0 : i32
    %dma_start3A_734 = arith.constant 0 : i32
    %dma_start3A_735 = tpu.memref_slice %arg7[%dma_start3A_730, %dma_start3A_733, %dma_start3A_734] : memref<1x64x1024xf32, #tpu.memory_space<vmem>> -> memref<1x64x1024xf32, #tpu.memory_space<vmem>>
    %dma_start3A_736 = tpu.memref_squeeze %dma_start3A_735 : memref<1x64x1024xf32, #tpu.memory_space<vmem>> -> memref<64x1024xf32, #tpu.memory_space<vmem>>
    %dma_start3A_737 = arith.constant 0 : i32
    %dma_start3A_738 = tpu.memref_slice %arg6[%dma_start3A_731, %dma_start3A_732, %dma_start3A_737] : memref<1x8x64xi32, #tpu.memory_space<vmem>> -> memref<1x1x64xi32, #tpu.memory_space<vmem>>
    %dma_start3A_739 = tpu.memref_squeeze %dma_start3A_738 : memref<1x1x64xi32, #tpu.memory_space<vmem>> -> memref<64xi32, #tpu.memory_space<vmem>>
    %dma_start3A_740 = arith.constant 0 : i32
    %dma_start3A_741 = arith.constant 0 : i32
    %dma_start3A_742 = tpu.memref_slice %arg4[%dma_start3A_740, %dma_start3A_741] : memref<16384x1024xf32, #tpu.memory_space<hbm>> -> memref<16384x1024xf32, #tpu.memory_space<hbm>>
    tpu.enqueue_indirect_dma source(%dma_start3A_736 : memref<64x1024xf32, #tpu.memory_space<vmem>>) target(%dma_start3A_742 : memref<16384x1024xf32, #tpu.memory_space<hbm>>) offsets(%dma_start3A_739 : memref<64xi32, #tpu.memory_space<vmem>>) semaphore(%arg10 : memref<!tpu.dma_semaphore, #tpu.memory_space<semaphore_mem>>)
    %dma_start3A_743 = arith.constant 0 : i32
    %dma_start3A_744 = arith.constant 0 : i32
    %dma_start3A_745 = arith.constant 1 : i32
    %dma_start3A_746 = arith.constant 0 : i32
    %dma_start3A_747 = arith.constant 0 : i32
    %dma_start3A_748 = tpu.memref_slice %arg7[%dma_start3A_743, %dma_start3A_746, %dma_start3A_747] : memref<1x64x1024xf32, #tpu.memory_space<vmem>> -> memref<1x64x1024xf32, #tpu.memory_space<vmem>>
    %dma_start3A_749 = tpu.memref_squeeze %dma_start3A_748 : memref<1x64x1024xf32, #tpu.memory_space<vmem>> -> memref<64x1024xf32, #tpu.memory_space<vmem>>
    %dma_start3A_750 = arith.constant 0 : i32
    %dma_start3A_751 = tpu.memref_slice %arg6[%dma_start3A_744, %dma_start3A_745, %dma_start3A_750] : memref<1x8x64xi32, #tpu.memory_space<vmem>> -> memref<1x1x64xi32, #tpu.memory_space<vmem>>
    %dma_start3A_752 = tpu.memref_squeeze %dma_start3A_751 : memref<1x1x64xi32, #tpu.memory_space<vmem>> -> memref<64xi32, #tpu.memory_space<vmem>>
    %dma_start3A_753 = arith.constant 0 : i32
    %dma_start3A_754 = arith.constant 0 : i32
    %dma_start3A_755 = tpu.memref_slice %arg4[%dma_start3A_753, %dma_start3A_754] : memref<16384x1024xf32, #tpu.memory_space<hbm>> -> memref<16384x1024xf32, #tpu.memory_space<hbm>>
    tpu.enqueue_indirect_dma source(%dma_start3A_749 : memref<64x1024xf32, #tpu.memory_space<vmem>>) target(%dma_start3A_755 : memref<16384x1024xf32, #tpu.memory_space<hbm>>) offsets(%dma_start3A_752 : memref<64xi32, #tpu.memory_space<vmem>>) semaphore(%arg10 : memref<!tpu.dma_semaphore, #tpu.memory_space<semaphore_mem>>)
    %dma_start3A_756 = arith.constant 0 : i32
    %dma_start3A_757 = arith.constant 0 : i32
    %dma_start3A_758 = arith.constant 2 : i32
    %dma_start3A_759 = arith.constant 0 : i32
    %dma_start3A_760 = arith.constant 0 : i32
    %dma_start3A_761 = tpu.memref_slice %arg7[%dma_start3A_756, %dma_start3A_759, %dma_start3A_760] : memref<1x64x1024xf32, #tpu.memory_space<vmem>> -> memref<1x64x1024xf32, #tpu.memory_space<vmem>>
    %dma_start3A_762 = tpu.memref_squeeze %dma_start3A_761 : memref<1x64x1024xf32, #tpu.memory_space<vmem>> -> memref<64x1024xf32, #tpu.memory_space<vmem>>
    %dma_start3A_763 = arith.constant 0 : i32
    %dma_start3A_764 = tpu.memref_slice %arg6[%dma_start3A_757, %dma_start3A_758, %dma_start3A_763] : memref<1x8x64xi32, #tpu.memory_space<vmem>> -> memref<1x1x64xi32, #tpu.memory_space<vmem>>
    %dma_start3A_765 = tpu.memref_squeeze %dma_start3A_764 : memref<1x1x64xi32, #tpu.memory_space<vmem>> -> memref<64xi32, #tpu.memory_space<vmem>>
    %dma_start3A_766 = arith.constant 0 : i32
    %dma_start3A_767 = arith.constant 0 : i32
    %dma_start3A_768 = tpu.memref_slice %arg4[%dma_start3A_766, %dma_start3A_767] : memref<16384x1024xf32, #tpu.memory_space<hbm>> -> memref<16384x1024xf32, #tpu.memory_space<hbm>>
    tpu.enqueue_indirect_dma source(%dma_start3A_762 : memref<64x1024xf32, #tpu.memory_space<vmem>>) target(%dma_start3A_768 : memref<16384x1024xf32, #tpu.memory_space<hbm>>) offsets(%dma_start3A_765 : memref<64xi32, #tpu.memory_space<vmem>>) semaphore(%arg10 : memref<!tpu.dma_semaphore, #tpu.memory_space<semaphore_mem>>)
    %dma_start3A_769 = arith.constant 0 : i32
    %dma_start3A_770 = arith.constant 0 : i32
    %dma_start3A_771 = arith.constant 3 : i32
    %dma_start3A_772 = arith.constant 0 : i32
    %dma_start3A_773 = arith.constant 0 : i32
    %dma_start3A_774 = tpu.memref_slice %arg7[%dma_start3A_769, %dma_start3A_772, %dma_start3A_773] : memref<1x64x1024xf32, #tpu.memory_space<vmem>> -> memref<1x64x1024xf32, #tpu.memory_space<vmem>>
    %dma_start3A_775 = tpu.memref_squeeze %dma_start3A_774 : memref<1x64x1024xf32, #tpu.memory_space<vmem>> -> memref<64x1024xf32, #tpu.memory_space<vmem>>
    %dma_start3A_776 = arith.constant 0 : i32
    %dma_start3A_777 = tpu.memref_slice %arg6[%dma_start3A_770, %dma_start3A_771, %dma_start3A_776] : memref<1x8x64xi32, #tpu.memory_space<vmem>> -> memref<1x1x64xi32, #tpu.memory_space<vmem>>
    %dma_start3A_778 = tpu.memref_squeeze %dma_start3A_777 : memref<1x1x64xi32, #tpu.memory_space<vmem>> -> memref<64xi32, #tpu.memory_space<vmem>>
    %dma_start3A_779 = arith.constant 0 : i32
    %dma_start3A_780 = arith.constant 0 : i32
    %dma_start3A_781 = tpu.memref_slice %arg4[%dma_start3A_779, %dma_start3A_780] : memref<16384x1024xf32, #tpu.memory_space<hbm>> -> memref<16384x1024xf32, #tpu.memory_space<hbm>>
    tpu.enqueue_indirect_dma source(%dma_start3A_775 : memref<64x1024xf32, #tpu.memory_space<vmem>>) target(%dma_start3A_781 : memref<16384x1024xf32, #tpu.memory_space<hbm>>) offsets(%dma_start3A_778 : memref<64xi32, #tpu.memory_space<vmem>>) semaphore(%arg10 : memref<!tpu.dma_semaphore, #tpu.memory_space<semaphore_mem>>)
    %dma_start3A_782 = arith.constant 0 : i32
    %dma_start3A_783 = arith.constant 0 : i32
    %dma_start3A_784 = arith.constant 4 : i32
    %dma_start3A_785 = arith.constant 0 : i32
    %dma_start3A_786 = arith.constant 0 : i32
    %dma_start3A_787 = tpu.memref_slice %arg7[%dma_start3A_782, %dma_start3A_785, %dma_start3A_786] : memref<1x64x1024xf32, #tpu.memory_space<vmem>> -> memref<1x64x1024xf32, #tpu.memory_space<vmem>>
    %dma_start3A_788 = tpu.memref_squeeze %dma_start3A_787 : memref<1x64x1024xf32, #tpu.memory_space<vmem>> -> memref<64x1024xf32, #tpu.memory_space<vmem>>
    %dma_start3A_789 = arith.constant 0 : i32
    %dma_start3A_790 = tpu.memref_slice %arg6[%dma_start3A_783, %dma_start3A_784, %dma_start3A_789] : memref<1x8x64xi32, #tpu.memory_space<vmem>> -> memref<1x1x64xi32, #tpu.memory_space<vmem>>
    %dma_start3A_791 = tpu.memref_squeeze %dma_start3A_790 : memref<1x1x64xi32, #tpu.memory_space<vmem>> -> memref<64xi32, #tpu.memory_space<vmem>>
    %dma_start3A_792 = arith.constant 0 : i32
    %dma_start3A_793 = arith.constant 0 : i32
    %dma_start3A_794 = tpu.memref_slice %arg4[%dma_start3A_792, %dma_start3A_793] : memref<16384x1024xf32, #tpu.memory_space<hbm>> -> memref<16384x1024xf32, #tpu.memory_space<hbm>>
    tpu.enqueue_indirect_dma source(%dma_start3A_788 : memref<64x1024xf32, #tpu.memory_space<vmem>>) target(%dma_start3A_794 : memref<16384x1024xf32, #tpu.memory_space<hbm>>) offsets(%dma_start3A_791 : memref<64xi32, #tpu.memory_space<vmem>>) semaphore(%arg10 : memref<!tpu.dma_semaphore, #tpu.memory_space<semaphore_mem>>)
    %dma_start3A_795 = arith.constant 0 : i32
    %dma_start3A_796 = arith.constant 0 : i32
    %dma_start3A_797 = arith.constant 5 : i32
    %dma_start3A_798 = arith.constant 0 : i32
    %dma_start3A_799 = arith.constant 0 : i32
    %dma_start3A_800 = tpu.memref_slice %arg7[%dma_start3A_795, %dma_start3A_798, %dma_start3A_799] : memref<1x64x1024xf32, #tpu.memory_space<vmem>> -> memref<1x64x1024xf32, #tpu.memory_space<vmem>>
    %dma_start3A_801 = tpu.memref_squeeze %dma_start3A_800 : memref<1x64x1024xf32, #tpu.memory_space<vmem>> -> memref<64x1024xf32, #tpu.memory_space<vmem>>
    %dma_start3A_802 = arith.constant 0 : i32
    %dma_start3A_803 = tpu.memref_slice %arg6[%dma_start3A_796, %dma_start3A_797, %dma_start3A_802] : memref<1x8x64xi32, #tpu.memory_space<vmem>> -> memref<1x1x64xi32, #tpu.memory_space<vmem>>
    %dma_start3A_804 = tpu.memref_squeeze %dma_start3A_803 : memref<1x1x64xi32, #tpu.memory_space<vmem>> -> memref<64xi32, #tpu.memory_space<vmem>>
    %dma_start3A_805 = arith.constant 0 : i32
    %dma_start3A_806 = arith.constant 0 : i32
    %dma_start3A_807 = tpu.memref_slice %arg4[%dma_start3A_805, %dma_start3A_806] : memref<16384x1024xf32, #tpu.memory_space<hbm>> -> memref<16384x1024xf32, #tpu.memory_space<hbm>>
    tpu.enqueue_indirect_dma source(%dma_start3A_801 : memref<64x1024xf32, #tpu.memory_space<vmem>>) target(%dma_start3A_807 : memref<16384x1024xf32, #tpu.memory_space<hbm>>) offsets(%dma_start3A_804 : memref<64xi32, #tpu.memory_space<vmem>>) semaphore(%arg10 : memref<!tpu.dma_semaphore, #tpu.memory_space<semaphore_mem>>)
    %dma_start3A_808 = arith.constant 0 : i32
    %dma_start3A_809 = arith.constant 0 : i32
    %dma_start3A_810 = arith.constant 6 : i32
    %dma_start3A_811 = arith.constant 0 : i32
    %dma_start3A_812 = arith.constant 0 : i32
    %dma_start3A_813 = tpu.memref_slice %arg7[%dma_start3A_808, %dma_start3A_811, %dma_start3A_812] : memref<1x64x1024xf32, #tpu.memory_space<vmem>> -> memref<1x64x1024xf32, #tpu.memory_space<vmem>>
    %dma_start3A_814 = tpu.memref_squeeze %dma_start3A_813 : memref<1x64x1024xf32, #tpu.memory_space<vmem>> -> memref<64x1024xf32, #tpu.memory_space<vmem>>
    %dma_start3A_815 = arith.constant 0 : i32
    %dma_start3A_816 = tpu.memref_slice %arg6[%dma_start3A_809, %dma_start3A_810, %dma_start3A_815] : memref<1x8x64xi32, #tpu.memory_space<vmem>> -> memref<1x1x64xi32, #tpu.memory_space<vmem>>
    %dma_start3A_817 = tpu.memref_squeeze %dma_start3A_816 : memref<1x1x64xi32, #tpu.memory_space<vmem>> -> memref<64xi32, #tpu.memory_space<vmem>>
    %dma_start3A_818 = arith.constant 0 : i32
    %dma_start3A_819 = arith.constant 0 : i32
    %dma_start3A_820 = tpu.memref_slice %arg4[%dma_start3A_818, %dma_start3A_819] : memref<16384x1024xf32, #tpu.memory_space<hbm>> -> memref<16384x1024xf32, #tpu.memory_space<hbm>>
    tpu.enqueue_indirect_dma source(%dma_start3A_814 : memref<64x1024xf32, #tpu.memory_space<vmem>>) target(%dma_start3A_820 : memref<16384x1024xf32, #tpu.memory_space<hbm>>) offsets(%dma_start3A_817 : memref<64xi32, #tpu.memory_space<vmem>>) semaphore(%arg10 : memref<!tpu.dma_semaphore, #tpu.memory_space<semaphore_mem>>)
    %dma_start3A_821 = arith.constant 0 : i32
    %dma_start3A_822 = arith.constant 0 : i32
    %dma_start3A_823 = arith.constant 7 : i32
    %dma_start3A_824 = arith.constant 0 : i32
    %dma_start3A_825 = arith.constant 0 : i32
    %dma_start3A_826 = tpu.memref_slice %arg7[%dma_start3A_821, %dma_start3A_824, %dma_start3A_825] : memref<1x64x1024xf32, #tpu.memory_space<vmem>> -> memref<1x64x1024xf32, #tpu.memory_space<vmem>>
    %dma_start3A_827 = tpu.memref_squeeze %dma_start3A_826 : memref<1x64x1024xf32, #tpu.memory_space<vmem>> -> memref<64x1024xf32, #tpu.memory_space<vmem>>
    %dma_start3A_828 = arith.constant 0 : i32
    %dma_start3A_829 = tpu.memref_slice %arg6[%dma_start3A_822, %dma_start3A_823, %dma_start3A_828] : memref<1x8x64xi32, #tpu.memory_space<vmem>> -> memref<1x1x64xi32, #tpu.memory_space<vmem>>
    %dma_start3A_830 = tpu.memref_squeeze %dma_start3A_829 : memref<1x1x64xi32, #tpu.memory_space<vmem>> -> memref<64xi32, #tpu.memory_space<vmem>>
    %dma_start3A_831 = arith.constant 0 : i32
    %dma_start3A_832 = arith.constant 0 : i32
    %dma_start3A_833 = tpu.memref_slice %arg4[%dma_start3A_831, %dma_start3A_832] : memref<16384x1024xf32, #tpu.memory_space<hbm>> -> memref<16384x1024xf32, #tpu.memory_space<hbm>>
    tpu.enqueue_indirect_dma source(%dma_start3A_827 : memref<64x1024xf32, #tpu.memory_space<vmem>>) target(%dma_start3A_833 : memref<16384x1024xf32, #tpu.memory_space<hbm>>) offsets(%dma_start3A_830 : memref<64xi32, #tpu.memory_space<vmem>>) semaphore(%arg10 : memref<!tpu.dma_semaphore, #tpu.memory_space<semaphore_mem>>)
    %dma_wait3A_834 = arith.constant 0 : i32
    %dma_wait3A_835 = arith.constant 0 : i32
    %dma_wait3A_836 = arith.constant 0 : i32
    %dma_wait3A_837 = arith.constant 0 : i32
    %dma_wait3A_838 = arith.constant 0 : i32
    %dma_wait3A_839 = tpu.memref_slice %arg7[%dma_wait3A_834, %dma_wait3A_837, %dma_wait3A_838] : memref<1x64x1024xf32, #tpu.memory_space<vmem>> -> memref<1x64x1024xf32, #tpu.memory_space<vmem>>
    %dma_wait3A_840 = tpu.memref_squeeze %dma_wait3A_839 : memref<1x64x1024xf32, #tpu.memory_space<vmem>> -> memref<64x1024xf32, #tpu.memory_space<vmem>>
    %dma_wait3A_841 = arith.constant 0 : i32
    %dma_wait3A_842 = tpu.memref_slice %arg6[%dma_wait3A_835, %dma_wait3A_836, %dma_wait3A_841] : memref<1x8x64xi32, #tpu.memory_space<vmem>> -> memref<1x1x64xi32, #tpu.memory_space<vmem>>
    %dma_wait3A_843 = tpu.memref_squeeze %dma_wait3A_842 : memref<1x1x64xi32, #tpu.memory_space<vmem>> -> memref<64xi32, #tpu.memory_space<vmem>>
    %dma_wait3A_844 = arith.constant 0 : i32
    %dma_wait3A_845 = arith.constant 0 : i32
    %dma_wait3A_846 = tpu.memref_slice %arg4[%dma_wait3A_844, %dma_wait3A_845] : memref<16384x1024xf32, #tpu.memory_space<hbm>> -> memref<16384x1024xf32, #tpu.memory_space<hbm>>
    tpu.wait_indirect_dma semaphore(%arg10 : memref<!tpu.dma_semaphore, #tpu.memory_space<semaphore_mem>>) src(%dma_wait3A_840 : memref<64x1024xf32, #tpu.memory_space<vmem>>) dst(%dma_wait3A_846 : memref<16384x1024xf32, #tpu.memory_space<hbm>>)
    %dma_wait3A_847 = arith.constant 0 : i32
    %dma_wait3A_848 = arith.constant 0 : i32
    %dma_wait3A_849 = arith.constant 1 : i32
    %dma_wait3A_850 = arith.constant 0 : i32
    %dma_wait3A_851 = arith.constant 0 : i32
    %dma_wait3A_852 = tpu.memref_slice %arg7[%dma_wait3A_847, %dma_wait3A_850, %dma_wait3A_851] : memref<1x64x1024xf32, #tpu.memory_space<vmem>> -> memref<1x64x1024xf32, #tpu.memory_space<vmem>>
    %dma_wait3A_853 = tpu.memref_squeeze %dma_wait3A_852 : memref<1x64x1024xf32, #tpu.memory_space<vmem>> -> memref<64x1024xf32, #tpu.memory_space<vmem>>
    %dma_wait3A_854 = arith.constant 0 : i32
    %dma_wait3A_855 = tpu.memref_slice %arg6[%dma_wait3A_848, %dma_wait3A_849, %dma_wait3A_854] : memref<1x8x64xi32, #tpu.memory_space<vmem>> -> memref<1x1x64xi32, #tpu.memory_space<vmem>>
    %dma_wait3A_856 = tpu.memref_squeeze %dma_wait3A_855 : memref<1x1x64xi32, #tpu.memory_space<vmem>> -> memref<64xi32, #tpu.memory_space<vmem>>
    %dma_wait3A_857 = arith.constant 0 : i32
    %dma_wait3A_858 = arith.constant 0 : i32
    %dma_wait3A_859 = tpu.memref_slice %arg4[%dma_wait3A_857, %dma_wait3A_858] : memref<16384x1024xf32, #tpu.memory_space<hbm>> -> memref<16384x1024xf32, #tpu.memory_space<hbm>>
    tpu.wait_indirect_dma semaphore(%arg10 : memref<!tpu.dma_semaphore, #tpu.memory_space<semaphore_mem>>) src(%dma_wait3A_853 : memref<64x1024xf32, #tpu.memory_space<vmem>>) dst(%dma_wait3A_859 : memref<16384x1024xf32, #tpu.memory_space<hbm>>)
    %dma_wait3A_860 = arith.constant 0 : i32
    %dma_wait3A_861 = arith.constant 0 : i32
    %dma_wait3A_862 = arith.constant 2 : i32
    %dma_wait3A_863 = arith.constant 0 : i32
    %dma_wait3A_864 = arith.constant 0 : i32
    %dma_wait3A_865 = tpu.memref_slice %arg7[%dma_wait3A_860, %dma_wait3A_863, %dma_wait3A_864] : memref<1x64x1024xf32, #tpu.memory_space<vmem>> -> memref<1x64x1024xf32, #tpu.memory_space<vmem>>
    %dma_wait3A_866 = tpu.memref_squeeze %dma_wait3A_865 : memref<1x64x1024xf32, #tpu.memory_space<vmem>> -> memref<64x1024xf32, #tpu.memory_space<vmem>>
    %dma_wait3A_867 = arith.constant 0 : i32
    %dma_wait3A_868 = tpu.memref_slice %arg6[%dma_wait3A_861, %dma_wait3A_862, %dma_wait3A_867] : memref<1x8x64xi32, #tpu.memory_space<vmem>> -> memref<1x1x64xi32, #tpu.memory_space<vmem>>
    %dma_wait3A_869 = tpu.memref_squeeze %dma_wait3A_868 : memref<1x1x64xi32, #tpu.memory_space<vmem>> -> memref<64xi32, #tpu.memory_space<vmem>>
    %dma_wait3A_870 = arith.constant 0 : i32
    %dma_wait3A_871 = arith.constant 0 : i32
    %dma_wait3A_872 = tpu.memref_slice %arg4[%dma_wait3A_870, %dma_wait3A_871] : memref<16384x1024xf32, #tpu.memory_space<hbm>> -> memref<16384x1024xf32, #tpu.memory_space<hbm>>
    tpu.wait_indirect_dma semaphore(%arg10 : memref<!tpu.dma_semaphore, #tpu.memory_space<semaphore_mem>>) src(%dma_wait3A_866 : memref<64x1024xf32, #tpu.memory_space<vmem>>) dst(%dma_wait3A_872 : memref<16384x1024xf32, #tpu.memory_space<hbm>>)
    %dma_wait3A_873 = arith.constant 0 : i32
    %dma_wait3A_874 = arith.constant 0 : i32
    %dma_wait3A_875 = arith.constant 3 : i32
    %dma_wait3A_876 = arith.constant 0 : i32
    %dma_wait3A_877 = arith.constant 0 : i32
    %dma_wait3A_878 = tpu.memref_slice %arg7[%dma_wait3A_873, %dma_wait3A_876, %dma_wait3A_877] : memref<1x64x1024xf32, #tpu.memory_space<vmem>> -> memref<1x64x1024xf32, #tpu.memory_space<vmem>>
    %dma_wait3A_879 = tpu.memref_squeeze %dma_wait3A_878 : memref<1x64x1024xf32, #tpu.memory_space<vmem>> -> memref<64x1024xf32, #tpu.memory_space<vmem>>
    %dma_wait3A_880 = arith.constant 0 : i32
    %dma_wait3A_881 = tpu.memref_slice %arg6[%dma_wait3A_874, %dma_wait3A_875, %dma_wait3A_880] : memref<1x8x64xi32, #tpu.memory_space<vmem>> -> memref<1x1x64xi32, #tpu.memory_space<vmem>>
    %dma_wait3A_882 = tpu.memref_squeeze %dma_wait3A_881 : memref<1x1x64xi32, #tpu.memory_space<vmem>> -> memref<64xi32, #tpu.memory_space<vmem>>
    %dma_wait3A_883 = arith.constant 0 : i32
    %dma_wait3A_884 = arith.constant 0 : i32
    %dma_wait3A_885 = tpu.memref_slice %arg4[%dma_wait3A_883, %dma_wait3A_884] : memref<16384x1024xf32, #tpu.memory_space<hbm>> -> memref<16384x1024xf32, #tpu.memory_space<hbm>>
    tpu.wait_indirect_dma semaphore(%arg10 : memref<!tpu.dma_semaphore, #tpu.memory_space<semaphore_mem>>) src(%dma_wait3A_879 : memref<64x1024xf32, #tpu.memory_space<vmem>>) dst(%dma_wait3A_885 : memref<16384x1024xf32, #tpu.memory_space<hbm>>)
    %dma_wait3A_886 = arith.constant 0 : i32
    %dma_wait3A_887 = arith.constant 0 : i32
    %dma_wait3A_888 = arith.constant 4 : i32
    %dma_wait3A_889 = arith.constant 0 : i32
    %dma_wait3A_890 = arith.constant 0 : i32
    %dma_wait3A_891 = tpu.memref_slice %arg7[%dma_wait3A_886, %dma_wait3A_889, %dma_wait3A_890] : memref<1x64x1024xf32, #tpu.memory_space<vmem>> -> memref<1x64x1024xf32, #tpu.memory_space<vmem>>
    %dma_wait3A_892 = tpu.memref_squeeze %dma_wait3A_891 : memref<1x64x1024xf32, #tpu.memory_space<vmem>> -> memref<64x1024xf32, #tpu.memory_space<vmem>>
    %dma_wait3A_893 = arith.constant 0 : i32
    %dma_wait3A_894 = tpu.memref_slice %arg6[%dma_wait3A_887, %dma_wait3A_888, %dma_wait3A_893] : memref<1x8x64xi32, #tpu.memory_space<vmem>> -> memref<1x1x64xi32, #tpu.memory_space<vmem>>
    %dma_wait3A_895 = tpu.memref_squeeze %dma_wait3A_894 : memref<1x1x64xi32, #tpu.memory_space<vmem>> -> memref<64xi32, #tpu.memory_space<vmem>>
    %dma_wait3A_896 = arith.constant 0 : i32
    %dma_wait3A_897 = arith.constant 0 : i32
    %dma_wait3A_898 = tpu.memref_slice %arg4[%dma_wait3A_896, %dma_wait3A_897] : memref<16384x1024xf32, #tpu.memory_space<hbm>> -> memref<16384x1024xf32, #tpu.memory_space<hbm>>
    tpu.wait_indirect_dma semaphore(%arg10 : memref<!tpu.dma_semaphore, #tpu.memory_space<semaphore_mem>>) src(%dma_wait3A_892 : memref<64x1024xf32, #tpu.memory_space<vmem>>) dst(%dma_wait3A_898 : memref<16384x1024xf32, #tpu.memory_space<hbm>>)
    %dma_wait3A_899 = arith.constant 0 : i32
    %dma_wait3A_900 = arith.constant 0 : i32
    %dma_wait3A_901 = arith.constant 5 : i32
    %dma_wait3A_902 = arith.constant 0 : i32
    %dma_wait3A_903 = arith.constant 0 : i32
    %dma_wait3A_904 = tpu.memref_slice %arg7[%dma_wait3A_899, %dma_wait3A_902, %dma_wait3A_903] : memref<1x64x1024xf32, #tpu.memory_space<vmem>> -> memref<1x64x1024xf32, #tpu.memory_space<vmem>>
    %dma_wait3A_905 = tpu.memref_squeeze %dma_wait3A_904 : memref<1x64x1024xf32, #tpu.memory_space<vmem>> -> memref<64x1024xf32, #tpu.memory_space<vmem>>
    %dma_wait3A_906 = arith.constant 0 : i32
    %dma_wait3A_907 = tpu.memref_slice %arg6[%dma_wait3A_900, %dma_wait3A_901, %dma_wait3A_906] : memref<1x8x64xi32, #tpu.memory_space<vmem>> -> memref<1x1x64xi32, #tpu.memory_space<vmem>>
    %dma_wait3A_908 = tpu.memref_squeeze %dma_wait3A_907 : memref<1x1x64xi32, #tpu.memory_space<vmem>> -> memref<64xi32, #tpu.memory_space<vmem>>
    %dma_wait3A_909 = arith.constant 0 : i32
    %dma_wait3A_910 = arith.constant 0 : i32
    %dma_wait3A_911 = tpu.memref_slice %arg4[%dma_wait3A_909, %dma_wait3A_910] : memref<16384x1024xf32, #tpu.memory_space<hbm>> -> memref<16384x1024xf32, #tpu.memory_space<hbm>>
    tpu.wait_indirect_dma semaphore(%arg10 : memref<!tpu.dma_semaphore, #tpu.memory_space<semaphore_mem>>) src(%dma_wait3A_905 : memref<64x1024xf32, #tpu.memory_space<vmem>>) dst(%dma_wait3A_911 : memref<16384x1024xf32, #tpu.memory_space<hbm>>)
    %dma_wait3A_912 = arith.constant 0 : i32
    %dma_wait3A_913 = arith.constant 0 : i32
    %dma_wait3A_914 = arith.constant 6 : i32
    %dma_wait3A_915 = arith.constant 0 : i32
    %dma_wait3A_916 = arith.constant 0 : i32
    %dma_wait3A_917 = tpu.memref_slice %arg7[%dma_wait3A_912, %dma_wait3A_915, %dma_wait3A_916] : memref<1x64x1024xf32, #tpu.memory_space<vmem>> -> memref<1x64x1024xf32, #tpu.memory_space<vmem>>
    %dma_wait3A_918 = tpu.memref_squeeze %dma_wait3A_917 : memref<1x64x1024xf32, #tpu.memory_space<vmem>> -> memref<64x1024xf32, #tpu.memory_space<vmem>>
    %dma_wait3A_919 = arith.constant 0 : i32
    %dma_wait3A_920 = tpu.memref_slice %arg6[%dma_wait3A_913, %dma_wait3A_914, %dma_wait3A_919] : memref<1x8x64xi32, #tpu.memory_space<vmem>> -> memref<1x1x64xi32, #tpu.memory_space<vmem>>
    %dma_wait3A_921 = tpu.memref_squeeze %dma_wait3A_920 : memref<1x1x64xi32, #tpu.memory_space<vmem>> -> memref<64xi32, #tpu.memory_space<vmem>>
    %dma_wait3A_922 = arith.constant 0 : i32
    %dma_wait3A_923 = arith.constant 0 : i32
    %dma_wait3A_924 = tpu.memref_slice %arg4[%dma_wait3A_922, %dma_wait3A_923] : memref<16384x1024xf32, #tpu.memory_space<hbm>> -> memref<16384x1024xf32, #tpu.memory_space<hbm>>
    tpu.wait_indirect_dma semaphore(%arg10 : memref<!tpu.dma_semaphore, #tpu.memory_space<semaphore_mem>>) src(%dma_wait3A_918 : memref<64x1024xf32, #tpu.memory_space<vmem>>) dst(%dma_wait3A_924 : memref<16384x1024xf32, #tpu.memory_space<hbm>>)
    %dma_wait3A_925 = arith.constant 0 : i32
    %dma_wait3A_926 = arith.constant 0 : i32
    %dma_wait3A_927 = arith.constant 7 : i32
    %dma_wait3A_928 = arith.constant 0 : i32
    %dma_wait3A_929 = arith.constant 0 : i32
    %dma_wait3A_930 = tpu.memref_slice %arg7[%dma_wait3A_925, %dma_wait3A_928, %dma_wait3A_929] : memref<1x64x1024xf32, #tpu.memory_space<vmem>> -> memref<1x64x1024xf32, #tpu.memory_space<vmem>>
    %dma_wait3A_931 = tpu.memref_squeeze %dma_wait3A_930 : memref<1x64x1024xf32, #tpu.memory_space<vmem>> -> memref<64x1024xf32, #tpu.memory_space<vmem>>
    %dma_wait3A_932 = arith.constant 0 : i32
    %dma_wait3A_933 = tpu.memref_slice %arg6[%dma_wait3A_926, %dma_wait3A_927, %dma_wait3A_932] : memref<1x8x64xi32, #tpu.memory_space<vmem>> -> memref<1x1x64xi32, #tpu.memory_space<vmem>>
    %dma_wait3A_934 = tpu.memref_squeeze %dma_wait3A_933 : memref<1x1x64xi32, #tpu.memory_space<vmem>> -> memref<64xi32, #tpu.memory_space<vmem>>
    %dma_wait3A_935 = arith.constant 0 : i32
    %dma_wait3A_936 = arith.constant 0 : i32
    %dma_wait3A_937 = tpu.memref_slice %arg4[%dma_wait3A_935, %dma_wait3A_936] : memref<16384x1024xf32, #tpu.memory_space<hbm>> -> memref<16384x1024xf32, #tpu.memory_space<hbm>>
    tpu.wait_indirect_dma semaphore(%arg10 : memref<!tpu.dma_semaphore, #tpu.memory_space<semaphore_mem>>) src(%dma_wait3A_931 : memref<64x1024xf32, #tpu.memory_space<vmem>>) dst(%dma_wait3A_937 : memref<16384x1024xf32, #tpu.memory_space<hbm>>)
    return
  }
}

</mosaic_0001>

<sc_bundles>
// kernel: kernel.3.cloned.1.call-start
scs
__scs_entry_jumppad:
0x0: {  	(pc) =	sbr.rel $0x88, $3  }
0x1: {  	(tag) =	ssettag $0x0;
	lr =	simm.s32 $0x1  }
0x2: {  	[smem:$0x3F9F] =	sst lr;
	_ =	strace $0xD0000000  }
0x3: {  	_ = 	snop  }
0x4: {  	_ = 	snop  }
0x5: {  	_ = 	snop  }
0x6: {  	_ = 	snop  }
0x7: {  	_ = 	snop  }
__scs_overlays_trampoline_lowered:
0x8: {  	[smem:$0x3FAE] =	sst s0  }
0x9: {  	[smem:$0x3FAF] =	sst s1  }
0xa: {  	[smem:$0x3FB0] =	sst s2  }
0xb: {  	[smem:$0x3FB1] =	sst s3  }
0xc: {  	[smem:$0x3FB2] =	sst s4  }
0xd: {  	[smem:$0x3FB3] =	sst s5  }
0xe: {  	[smem:$0x3FB4] =	sst s6  }
0xf: {  	[smem:$0x3FB5] =	sst s7  }
0x10: {  	[smem:$0x3FB6] =	sst s8  }
0x11: {  	[smem:$0x3FB7] =	sst s9;
	s0 =	simm.s32 @!p0 $0x0  }
0x12: {  	s1 =	sld [smem:$0x3F9D];
	s0 =	simm.s32 @p0 $0x1  }
0x13: {  	[smem:$0x3FB8] =	sst s0;
	s0 =	simm.s32 @!p1 $0x0  }
0x14: {  	s2 =	sld [smem:$0x3F9C];
	s0 =	simm.s32 @p1 $0x1  }
0x15: {  	[smem:$0x3FB9] =	sst s0;
	s0 =	simm.s32 @!p2 $0x0  }
0x16: {  	s3 =	sld [smem:$0x3FDB];
	s0 =	simm.s32 @p2 $0x1  }
0x17: {  	s4 =	simm.s32 $0x1BF5;
	[smem:$0x3FBB] =	sst s0  }
0x18: {  	s0 =	sld [smem:$0x3F9E];
	_ =	swait.ge [sflag:s4], $0x0  }
0x19: {  	s7 =	sld [smem:$0x3F9F]  }
0x1a: {  	s8 =	sadd.s32 $0xFFFFE003, lr  }
0x1b: {  	s9 =	sadd.s32 $0xFFFFFEF7, lr;
	s5 =	simm.s32 $0xFFFFFFFF;
	p2 =	slt.u32 s8, $0xFFFFF086  }
0x1c: {  	p1 =	slt.u32 s9, $0xF7A;
	s5 =	simm.s32 @!p2 $0x0  }
0x1d: {  	s5 =	simm.s32 @p1 $0x1;
	p0 =	seq.s32 s7, s2  }
0x1e: {  	s7 =	smul.u32 @!p0 $0xF7A, s2;
	p2 =	seq.s32 @!p0 s5, $0x0  }
0x1f: {  	s9 =	smul.u32 $0xF7A, s1;
	s8 =	simm.s32 @!p0 $0x1BF5;
	p2 =	por !p2, p0  }
0x20: {  	[sflag:s8] =	ssyncset.s32 @!p0 $0xFFFFF086;
	s6 =	sadd.s32 @!p0 s3, s7;
	s7 =	simm.s32 @!p0 $0x108  }
0x21: {  	s3 =	sadd.s32 s3, s9;
	s6 =	sadd.s32 @!p0 $0x88, s6;
	s7 =	simm.s32 @p2 $0x1082  }
0x22: {  	[simem:s7], [sflag:s8] =	dma.local @!p0 [hbm:s6], $0xF7A  }
0x23: {  	s9 =	sor.u32 $0xD0000000, s2;
	s6 =	simm.s32 $0x108;
	_ =	swait.ge @!p0 [sflag:s8], $0x0  }
0x24: {  	s3 =	sadd.s32 $0x88, s3;
	s6 =	simm.s32 @!p1 $0x1082;
	[sflag:s4] =	ssyncset.s32 $0xFFFFF086  }
0x25: {  	[simem:s6], [sflag:s4] =	dma.local [hbm:s3], $0xF7A  }
0x26: {  	[smem:$0x3F9F] =	sst s1;
	(tag) =	ssettag s2;
	_ =	strace s9  }
0x27: {  	s1 =	sld [smem:$0x3FAF]  }
0x28: {  	s2 =	sld [smem:$0x3FB0]  }
0x29: {  	s4 =	sld [smem:$0x3FB2]  }
0x2a: {  	p0 =	seq.s32 s5, $0x0;
	s5 =	sld [smem:$0x3FB3]  }
0x2b: {  	s6 =	sld [smem:$0x3FB4]  }
0x2c: {  	s7 =	sld [smem:$0x3FB5]  }
0x2d: {  	s3 =	simm.s32 $0x108;
	s8 =	sld [smem:$0x3FB6]  }
0x2e: {  	s3 =	simm.s32 @!p0 $0x1082;
	s9 =	sld [smem:$0x3FB7]  }
0x2f: {  	lr =	sadd.s32 s0, s3;
	s0 =	sld [smem:$0x3FAE]  }
0x30: {  	s3 =	sld [smem:$0x3FB1]  }
0x31: {  	[smem:$0x3FBA] =	sst s10  }
0x32: {  	s10 =	sld [smem:$0x3FB8];
	_ =	sdelay $0x3  }
0x33: {  	p0 =	seq.s32 s10, $0x1;
	s10 =	sld [smem:$0x3FBA];
	_ =	sdelay $0x3  }
0x34: {  	[smem:$0x3FBA] =	sst s10  }
0x35: {  	s10 =	sld [smem:$0x3FB9];
	_ =	sdelay $0x3  }
0x36: {  	p1 =	seq.s32 s10, $0x1;
	s10 =	sld [smem:$0x3FBA];
	_ =	sdelay $0x3  }
0x37: {  	[smem:$0x3FBA] =	sst s10  }
0x38: {  	s10 =	sld [smem:$0x3FBB]  }
0x39: {  	_ = 	snop;
	(pc) =	sbr.ind lr, $3  }
0x3a: {  	_ = 	snop  }
0x3b: {  	_ = 	snop  }
0x3c: {  	p2 =	seq.s32 s10, $0x1;
	s10 =	sld [smem:$0x3FBA]  }
0x3d: {  	_ =	shalt  }
0x3e: {  	_ =	shalt  }
0x3f: {  	_ =	shalt  }
0x40: {  	_ =	shalt  }
0x41: {  	_ =	shalt  }
0x42: {  	_ =	shalt  }
0x43: {  	_ =	shalt  }
0x44: {  	_ =	shalt  }
0x45: {  	_ =	shalt  }
0x46: {  	_ =	shalt  }
0x47: {  	_ =	shalt  }
0x48: {  	_ =	shalt  }
0x49: {  	_ =	shalt  }
0x4a: {  	_ =	shalt  }
0x4b: {  	_ =	shalt  }
0x4c: {  	_ =	shalt  }
0x4d: {  	_ =	shalt  }
0x4e: {  	_ =	shalt  }
0x4f: {  	_ =	shalt  }
0x50: {  	_ =	shalt  }
0x51: {  	_ =	shalt  }
0x52: {  	_ =	shalt  }
0x53: {  	_ =	shalt  }
0x54: {  	_ =	shalt  }
0x55: {  	_ =	shalt  }
0x56: {  	_ =	shalt  }
0x57: {  	_ =	shalt  }
0x58: {  	_ =	shalt  }
0x59: {  	_ =	shalt  }
0x5a: {  	_ =	shalt  }
0x5b: {  	_ =	shalt  }
0x5c: {  	_ =	shalt  }
0x5d: {  	_ =	shalt  }
0x5e: {  	_ =	shalt  }
0x5f: {  	_ =	shalt  }
0x60: {  	_ =	shalt  }
0x61: {  	_ =	shalt  }
0x62: {  	_ =	shalt  }
0x63: {  	_ =	shalt  }
0x64: {  	_ =	shalt  }
0x65: {  	_ =	shalt  }
0x66: {  	_ =	shalt  }
0x67: {  	_ =	shalt  }
0x68: {  	_ =	shalt  }
0x69: {  	_ =	shalt  }
0x6a: {  	_ =	shalt  }
0x6b: {  	_ =	shalt  }
0x6c: {  	_ =	shalt  }
0x6d: {  	_ =	shalt  }
0x6e: {  	_ =	shalt  }
0x6f: {  	_ =	shalt  }
0x70: {  	_ =	shalt  }
0x71: {  	_ =	shalt  }
0x72: {  	_ =	shalt  }
0x73: {  	_ =	shalt  }
0x74: {  	_ =	shalt  }
0x75: {  	_ =	shalt  }
0x76: {  	_ =	shalt  }
0x77: {  	_ =	shalt  }
0x78: {  	_ =	shalt  }
0x79: {  	_ =	shalt  }
0x7a: {  	_ =	shalt  }
0x7b: {  	_ =	shalt  }
0x7c: {  	_ =	shalt  }
0x7d: {  	_ =	shalt  }
0x7e: {  	_ =	shalt  }
0x7f: {  	_ =	shalt  }
0x80: {  	_ =	shalt  }
0x81: {  	_ =	shalt  }
0x82: {  	_ =	shalt  }
0x83: {  	_ =	shalt  }
0x84: {  	_ =	shalt  }
0x85: {  	_ =	shalt  }
0x86: {  	_ =	shalt  }
0x87: {  	_ =	shalt  }
.Lfunc_end0:
.L_simem_size_0:
called_computation_lowered:
.L_overlay_start_0:
0x88: {  	s2 =	sld [smem:$0x3FD9]  }
0x89: {  	s3 =	sld [smem:$0x3FFE];
	_ =	sdelay $0x1  }
0x8a: {  	s1 =	srdreg.scid  }
0x8b: {  	s0 =	sand.u32 $0x1, s1  }
0x8c: {  	s17 =	sshll.u32 s0, $0xA;
	s2 =	sadd.s32 s3, s2  }
0x8d: {  	s2 =	sadd.s32 s2, s17  }
0x8e: {  	[smem:$0x3FC6] =	sst s2  }
0x8f: {  	_ = 	snop  }
0x90: {  	s2 =	sld [smem:$0x3FC8]  }
0x91: {  	s18 =	sld [smem:$0x3FD0];
	(tm) =	ssettm $0x1  }
0x92: {  	s4 =	sld [smem:$0x3FFB];
	_ =	sdelay $0x3  }
0x93: {  	_ =	strace s4  }
0x94: {  	s4 =	sld [smem:$0x3FFC];
	_ =	sdelay $0x3  }
0x95: {  	_ =	strace s4  }
0x96: {  	s4 =	sld [smem:$0x3FFD];
	_ =	sdelay $0x3  }
0x97: {  	_ =	strace s4  }
0x98: {  	_ =	strace $0x8FFFFFFF  }
0x99: {  	s19 =	sld [smem:$0x3FDB];
	_ =	sdelay $0x1  }
0x9a: {  	s5 =	simm.s32 $_scs_section_size  }
0x9b: {  	s6 =	simm.s32 $_size__tile_overlayer_lowered;
	s7 =	simm.s32 $_tile_overlayer_lowered  }
0x9c: {  	s22 =	simm.s32 $0x1BFF;
	s21 =	sshll.u32 s7, $0x1;
	s4 =	sadd.s32 s5, s19  }
0x9d: {  	s8 =	simm.s32 $0x0;
	s20 =	sshll.u32 s6, $0x1;
	s6 =	sadd.s32 s21, s4  }
0x9e: {  	[timem:s8], [sflag:s22] =	dma.local [hbm:s6], s20  }
0x9f: {  	_ =	swait.ge [sflag:s22], s20  }
0xa0: {  	s5 =	ssub.s32 $0x0, s20;
	[sflag:s22] =	ssyncset.done $0x0  }
0xa1: {  	[sflag:s22] =	ssyncadd.s32 s5;
	_ =	sdelay $0x1  }
0xa2: {  	s23 =	simm.s32 $0x1B8B  }
0xa3: {  	_ =	swait.ge [sflag:s23], $0x1  }
0xa4: {  	[sflag:s23] =	ssyncset.done $0x0  }
0xa5: {  	s25 =	simm.s32 $0x1B8E;
	s24 =	sld [smem:$0x3FFE];
	[sflag:s23] =	ssyncadd.s32 $0xFFFFFFFF  }
0xa6: {  	s26 =	simm.s32 $execute0_lowered;
	[smem:$0x3FD2] =	sst s25  }
0xa7: {  	s6 =	sshll.u32 s26, $0x1;
	_ =	strace $0x80000046;
	[dreg:$0x1] =	wrdreg $0xFFFFFFFF  }
0xa8: {  	s28 =	simm.s32 $_size_execute0_lowered;
	s4 =	sadd.s32 s4, s6;
	[dreg:$0x0] =	wrdreg $0x0  }
0xa9: {  	s6 =	sshll.u32 s28, $0x1;
	[dreg:$0x2] =	wrdreg s4  }
0xaa: {  	[dreg:$0x3] =	wrdreg s6  }
0xab: {  	[dreg:$0x4] =	wrdreg $0xC0  }
0xac: {  	_ =	task [dreg:s8], $0x5FFFF  }
0xad: {  	[dreg:$0x1] =	wrdreg $0xFFFFFFFF  }
0xae: {  	[dreg:$0x0] =	wrdreg $0x60  }
0xaf: {  	[dreg:$0x2] =	wrdreg s24  }
0xb0: {  	[dreg:$0x3] =	wrdreg s2  }
0xb1: {  	[dreg:$0x4] =	wrdreg s18  }
0xb2: {  	[dreg:$0x5] =	wrdreg $0x9  }
0xb3: {  	_ =	task.clear_ibuf [dreg:s8], $0x6FFFF;
	_ =	strace $0x90000046  }
0xb4: {  	s29 =	simm.s32 $0x9;
	_ =	strace $0x80000048  }
0xb5: {  	_ =	swait.ge [sflag:s29], $0x1  }
0xb6: {  	[sflag:s29] =	ssyncadd.s32 $0xFFFFFFFF  }
0xb7: {  	_ =	strace $0x90000048  }
0xb8: {  	_ =	sfence  }
0xb9: {  	s30 =	sld [smem:$0x0];
	_ =	sdelay $0x2  }
0xba: {  	s31 =	sshll.u32 s1, $0xD;
	s1 =	sshrl.u32 s1, $0x2  }
0xbb: {  	s3 =	sand.u32 $0x4000, s31;
	s1 =	sadd.s32 s1, s30  }
0xbc: {  	s0 =	sor.u32 s3, s0;
	s1 =	sshll.u32 s1, $0x11  }
0xbd: {  	s0 =	sor.u32 s1, s0  }
0xbe: {  	s0 =	sadd.s32 $0x8F2B, s0  }
0xbf: {  	[sflag:s0] =	ssyncadd.remote.s32 $0x1  }
0xc0: {  	_ =	sfence.sel $0xFFFF  }
0xc1: {  	[dreg:$0x0] =	wrdreg $0xFFFFFFFF;
	(pc) =	sbr.abs _section_cstart, $3  }
0xc2: {  	[dreg:$0x1] =	wrdreg $0xFFFFFFFF  }
0xc3: {  	_ =	task.clear_ibuf [dreg:s8], $0x2FFFF;
	_ =	strace $0x9FFFFFFF  }
0xc4: {  	(tm) =	ssettm $0x7FFFFFFF  }
0xc5: {  	_ =	shalt  }
tec
execute0_lowered:
.L_overlay_start_1:
0x0: {  	(tag) =	ssettag $0x1  }
0x1: {  	s0 =	rddreg [dreg:$0x0]  }
0x2: {  	s1 =	rddreg [dreg:$0x1]  }
0x3: {  	s2 =	rddreg [dreg:$0x2];
	s4 =	srdreg.scid  }
0x4: {  	s3 =	simm.s32 $0x0;
	s5 =	stileid.u32;
	s18 =	simm.s32 $0x2  }
0x5: {  	s4 =	sand.u32 $0x1, s4;
	[smem:$0x7FF] =	sst s3;
	s5 =	sshll.u32 s5, $0x7  }
0x6: {  	v14 =	vlaneseq.u32;
	v4 =	vimm.s32 $0x0;
	v5 =	vimm.s32 $0x1;
	s0 =	sadd.s32 $0x400, s0;
	s6 =	sshll.u32 s4, $0x6;
	_ =	strace $0x80000047  }
0x7: {  	v6 =	vimm.s32 $0x2;
	v7 =	vimm.s32 $0x3;
	v8 =	vimm.s32 $0x4;
	s4 =	ssub.s32 $0x2, s4;
	[dreg:$0x4] =	wrdreg s0;
	s9 =	sor.u32 s6, s5  }
0x8: {  	v9 =	vimm.s32 $0x5;
	v10 =	vimm.s32 $0x6;
	v11 =	vimm.s32 $0x7;
	s30 =	sshrl.u32 s4, $0x1;
	s6 =	sadd.s32 $0x300, s2;
	s5 =	sshll.u32 s9, $0x7  }
0x9: {  	vm0 =	vmmov $0xffff;
	v12 =	vand.u32 $0x7, v14;
	v13 =	vshrl.u32 v14, $0x3;
	s0 =	ssub.s32 s4, s30;
	s31 =	sor.u32 $0x10, s9;
	s10 =	sor.u32 $0x20, s9  }
0xa: {  	v13 =	vmul.u32 $0x8, v13;
	s11 =	sor.u32 $0x30, s9;
	s4 =	sadd.s32 $0x100, s2;
	v0 =	vor.u32 s9, v14;
	s1 =	sadd.s32 s1, s5;
	v1 =	vor.u32 s31, v14  }
0xb: {  	s5 =	sadd.s32 $0x200, s2;
	s0 =	smax.u32 s0, $0x1;
	v2 =	vor.u32 s10, v14;
	v3 =	vor.u32 s11, v14;
	v14 =	vor.u32 $0x8, v14;
	[dreg:$0x5] =	wrdreg s1  }
.LBB2_1:
0xc: {  	[dreg:$0x6] =	wrdreg s0  }
0xd: {  	s19 =	rddreg [dreg:$0x5];
	s24 =	simm.s32 $0x480  }
0xe: {  	[tilespmem:s24], [sflag:$0x1] =	stream.linear.gather [hbm4b:s19+s3], $0x10000, $0x38;
	[tilespmem:$0x10480] =	vst v63  }
0xf: {  	s20 =	rddreg [dreg:$0x4];
	s25 =	simm.s32 $0x3  }
0x10: {  	[tilespmem:s3], [sflag:$0x3] =	stream.linear.gather [hbm4b:s20+s3], $0x80, $0x38;
	[tilespmem:$0x10480] =	vst v63  }
0x11: {  	_ =	swait.ge [sflag:s25], $0x80  }
0x12: {  	[sflag:s25] =	ssyncset.done $0x0  }
0x13: {  	[sflag:s25] =	ssyncadd.s32 $0xFFFFFF80  }
0x14: {  	v15 =	vld [tilespmem:$0x0];
	_ =	sdelay $0x4  }
0x15: {  	v16 =	vperm.xlane v15, v4;
	v21 =	vperm.xlane v15, v5  }
0x16: {  	v24 =	vperm.xlane v15, v6;
	v47 =	vperm.xlane v15, v7  }
0x17: {  	v60 =	vperm.xlane v15, v8;
	v28 =	vperm.xlane v15, v9  }
0x18: {  	v17 =	vsub.s32 v0, v16;
	v19 =	vsub.s32 v1, v16;
	v20 =	vsub.s32 v2, v16  }
0x19: {  	v16 =	vsub.s32 v3, v16;
	v22 =	vsub.s32 v0, v21;
	v23 =	vsub.s32 v1, v21  }
0x1a: {  	v37 =	vsub.s32 v2, v21;
	v21 =	vsub.s32 v3, v21;
	v18 =	vand.u32 $0x7FF, v17  }
0x1b: {  	v39 =	vsub.s32 v0, v24;
	v44 =	vsub.s32 v1, v24;
	v19 =	vand.u32 $0x7FF, v19;
	[tilespmem:$0x80] =	vst v18  }
0x1c: {  	v46 =	vsub.s32 v2, v24;
	v48 =	vsub.s32 v3, v24;
	v20 =	vand.u32 $0x7FF, v20;
	[tilespmem:$0x90] =	vst v19  }
0x1d: {  	v51 =	vsub.s32 v0, v47;
	v16 =	vand.u32 $0x7FF, v16;
	v22 =	vand.u32 $0x7FF, v22;
	[tilespmem:$0xA0] =	vst v20  }
0x1e: {  	v54 =	vsub.s32 v1, v47;
	v23 =	vand.u32 $0x7FF, v23;
	v35 =	vor.u32 $0x800, v22;
	[tilespmem:$0xB0] =	vst v16  }
0x1f: {  	v57 =	vsub.s32 v2, v47;
	v38 =	vand.u32 $0x7FF, v37;
	v36 =	vor.u32 $0x800, v23;
	[tilespmem:$0x100] =	vst v35  }
0x20: {  	v59 =	vsub.s32 v3, v47;
	v40 =	vand.u32 $0x7FF, v21;
	v19 =	vor.u32 $0x800, v38;
	[tilespmem:$0x110] =	vst v36  }
0x21: {  	v24 =	vsub.s32 v0, v60;
	v41 =	vand.u32 $0x7FF, v39;
	v42 =	vor.u32 $0x800, v40;
	[tilespmem:$0x120] =	vst v19  }
0x22: {  	v25 =	vsub.s32 v1, v60;
	v45 =	vand.u32 $0x7FF, v44;
	v43 =	vor.u32 $0x1000, v41;
	[tilespmem:$0x130] =	vst v42  }
0x23: {  	v31 =	vsub.s32 v2, v60;
	v21 =	vand.u32 $0x7FF, v46;
	v18 =	vor.u32 $0x1000, v45;
	[tilespmem:$0x180] =	vst v43  }
0x24: {  	v33 =	vsub.s32 v3, v60;
	v50 =	vand.u32 $0x7FF, v48;
	v49 =	vor.u32 $0x1000, v21;
	[tilespmem:$0x190] =	vst v18  }
0x25: {  	v34 =	vsub.s32 v0, v28;
	v53 =	vand.u32 $0x7FF, v51;
	v52 =	vor.u32 $0x1000, v50;
	[tilespmem:$0x1A0] =	vst v49  }
0x26: {  	v56 =	vand.u32 $0x7FF, v54;
	v58 =	vand.u32 $0x7FF, v57;
	v55 =	vor.u32 $0x1800, v53;
	[tilespmem:$0x1B0] =	vst v52  }
0x27: {  	v62 =	vand.u32 $0x7FF, v59;
	v26 =	vand.u32 $0x7FF, v24;
	v61 =	vor.u32 $0x1800, v56;
	[tilespmem:$0x200] =	vst v55  }
0x28: {  	v27 =	vand.u32 $0x7FF, v25;
	v32 =	vand.u32 $0x7FF, v31;
	v63 =	vor.u32 $0x1800, v62;
	[tilespmem:$0x210] =	vst v61  }
0x29: {  	v37 =	vand.u32 $0x7FF, v34;
	v39 =	vsub.s32 v1, v28;
	v29 =	vor.u32 $0x2000, v26;
	[tilespmem:$0x230] =	vst v63  }
0x2a: {  	v25 =	vshll.u32 v17, $0x3;
	v17 =	vand.u32 $0x7, v17;
	v30 =	vor.u32 $0x2000, v27;
	[tilespmem:$0x280] =	vst v29  }
0x2b: {  	v38 =	vor.u32 $0x2800, v37;
	v40 =	vand.u32 $0x7FF, v39;
	v41 =	vsub.s32 v2, v28;
	[tilespmem:$0x290] =	vst v30  }
0x2c: {  	v45 =	vsub.s32 v3, v28;
	v27 =	vand.u32 $0x3FC0, v25;
	v18 =	vor.u32 $0x1800, v58;
	[tilespmem:$0x300] =	vst v38  }
0x2d: {  	v35 =	vor.u32 $0x2000, v32;
	v36 =	vand.u32 $0x7FF, v33;
	v42 =	vperm.xlane v15, v10;
	[tilespmem:$0x220] =	vst v18  }
0x2e: {  	v43 =	vor.u32 $0x2800, v40;
	v44 =	vand.u32 $0x7FF, v41;
	v47 =	vand.u32 $0x7FF, v45;
	[tilespmem:$0x2A0] =	vst v35  }
0x2f: {  	v15 =	vperm.xlane v15, v11;
	v17 =	vor.u32 v17, v27;
	v18 =	vor.u32 $0x2000, v36;
	[tilespmem:$0x310] =	vst v43  }
0x30: {  	v46 =	vor.u32 $0x2800, v44;
	v49 =	vor.u32 $0x2800, v47;
	[tilespmem:$0x2B0] =	vst v18;
	v48 =	vsub.s32 v0, v42  }
0x31: {  	v30 =	vperm.xlane v17, v12;
	v51 =	vsub.s32 v1, v42;
	[tilespmem:$0x320] =	vst v46;
	v50 =	vand.u32 $0x7FF, v48  }
0x32: {  	v55 =	vsub.s32 v2, v42;
	[tilespmem:$0x330] =	vst v49;
	v53 =	vand.u32 $0x7FF, v51;
	v52 =	vor.u32 $0x3000, v50  }
0x33: {  	v56 =	vsub.s32 v3, v42;
	v57 =	vand.u32 $0x7FF, v55;
	v54 =	vor.u32 $0x3000, v53;
	[tilespmem:$0x380] =	vst v52  }
0x34: {  	v59 =	vsub.s32 v0, v15;
	v58 =	vand.u32 $0x7FF, v56;
	v60 =	vor.u32 $0x3000, v57;
	[tilespmem:$0x390] =	vst v54  }
0x35: {  	v24 =	vsub.s32 v1, v15;
	v62 =	vand.u32 $0x7FF, v59;
	v61 =	vor.u32 $0x3000, v58;
	[tilespmem:$0x3A0] =	vst v60  }
0x36: {  	v28 =	vsub.s32 v2, v15;
	v26 =	vand.u32 $0x7FF, v24;
	v63 =	vor.u32 $0x3800, v62;
	[tilespmem:$0x3B0] =	vst v61  }
0x37: {  	v15 =	vsub.s32 v3, v15;
	v29 =	vand.u32 $0x7FF, v28;
	v16 =	vor.u32 $0x3800, v26;
	[tilespmem:$0x400] =	vst v63  }
0x38: {  	v15 =	vand.u32 $0x7FF, v15;
	v31 =	vor.u32 $0x3800, v29;
	[tilespmem:$0x410] =	vst v16  }
0x39: {  	v32 =	vadd.s32 v13, v30;
	v15 =	vor.u32 $0x3800, v15;
	[tilespmem:$0x420] =	vst v31  }
0x3a: {  	s26 =	simm.s32 $0x1;
	[tilespmem:$0x430] =	vst v15  }
0x3b: {  	_ =	swait.ge [sflag:s26], $0x10000  }
0x3c: {  	[sflag:s26] =	ssyncset.done $0x0  }
0x3d: {  	s0 =	simm.s32 $0x480;
	[sflag:s26] =	ssyncadd.s32 $0xFFFF0000  }
0x3e: {  	[hbm4b:s2+s3] =	stream.indirect_vreg.scatter [tilespmem:s0], [sflag:$0x2], $0x80, v32, vm0, $0xb8;
	[tilespmem:$0x10480] =	vst v63  }
0x3f: {  	s1 =	simm.s32 $0xC80;
	v15 =	vperm.xlane v17, v14  }
0x40: {  	[hbm4b:s4+s3] =	stream.indirect_vreg.scatter [tilespmem:s1], [sflag:$0x2], $0x80, v32, vm0, $0xb8;
	[tilespmem:$0x10480] =	vst v63  }
0x41: {  	s28 =	simm.s32 $0x1480;
	v15 =	vadd.s32 v13, v15  }
0x42: {  	[hbm4b:s5+s3] =	stream.indirect_vreg.scatter [tilespmem:s28], [sflag:$0x2], $0x80, v32, vm0, $0xb8;
	[tilespmem:$0x10480] =	vst v63  }
0x43: {  	s29 =	simm.s32 $0x1C80  }
0x44: {  	[hbm4b:s6+s3] =	stream.indirect_vreg.scatter [tilespmem:s29], [sflag:$0x2], $0x80, v32, vm0, $0xb8;
	[tilespmem:$0x10480] =	vst v63  }
0x45: {  	s30 =	simm.s32 $0x2480  }
0x46: {  	[hbm4b:s2+s3] =	stream.indirect_vreg.scatter [tilespmem:s30], [sflag:$0x2], $0x80, v15, vm0, $0xb8;
	[tilespmem:$0x10480] =	vst v63  }
0x47: {  	s31 =	simm.s32 $0x2C80  }
0x48: {  	[hbm4b:s4+s3] =	stream.indirect_vreg.scatter [tilespmem:s31], [sflag:$0x2], $0x80, v15, vm0, $0xb8;
	[tilespmem:$0x10480] =	vst v63  }
0x49: {  	s8 =	simm.s32 $0x3480  }
0x4a: {  	[hbm4b:s5+s3] =	stream.indirect_vreg.scatter [tilespmem:s8], [sflag:$0x2], $0x80, v15, vm0, $0xb8;
	[tilespmem:$0x10480] =	vst v63  }
0x4b: {  	s9 =	simm.s32 $0x3C80  }
0x4c: {  	[hbm4b:s6+s3] =	stream.indirect_vreg.scatter [tilespmem:s9], [sflag:$0x2], $0x80, v15, vm0, $0xb8;
	[tilespmem:$0x10480] =	vst v63  }
0x4d: {  	v15 =	vld [tilespmem:$0x90];
	_ =	sdelay $0x4  }
0x4e: {  	v33 =	vshll.u32 v15, $0x3  }
0x4f: {  	v15 =	vand.u32 $0x7, v15;
	v16 =	vand.u32 $0xFFFFFFC0, v33  }
0x50: {  	v15 =	vor.u32 v15, v16  }
0x51: {  	v16 =	vperm.xlane v15, v12;
	_ =	sdelay $0x1  }
0x52: {  	v16 =	vadd.s32 v13, v16;
	_ =	sdelay $0x3  }
0x53: {  	s10 =	simm.s32 $0x4480  }
0x54: {  	[hbm4b:s2+s3] =	stream.indirect_vreg.scatter [tilespmem:s10], [sflag:$0x2], $0x80, v16, vm0, $0xb8;
	[tilespmem:$0x10480] =	vst v63  }
0x55: {  	s12 =	simm.s32 $0x4C80;
	v15 =	vperm.xlane v15, v14  }
0x56: {  	[hbm4b:s4+s3] =	stream.indirect_vreg.scatter [tilespmem:s12], [sflag:$0x2], $0x80, v16, vm0, $0xb8;
	[tilespmem:$0x10480] =	vst v63  }
0x57: {  	s13 =	simm.s32 $0x5480;
	v15 =	vadd.s32 v13, v15  }
0x58: {  	[hbm4b:s5+s3] =	stream.indirect_vreg.scatter [tilespmem:s13], [sflag:$0x2], $0x80, v16, vm0, $0xb8;
	[tilespmem:$0x10480] =	vst v63  }
0x59: {  	s19 =	simm.s32 $0x5C80  }
0x5a: {  	[hbm4b:s6+s3] =	stream.indirect_vreg.scatter [tilespmem:s19], [sflag:$0x2], $0x80, v16, vm0, $0xb8;
	[tilespmem:$0x10480] =	vst v63  }
0x5b: {  	s20 =	simm.s32 $0x6480  }
0x5c: {  	[hbm4b:s2+s3] =	stream.indirect_vreg.scatter [tilespmem:s20], [sflag:$0x2], $0x80, v15, vm0, $0xb8;
	[tilespmem:$0x10480] =	vst v63  }
0x5d: {  	s24 =	simm.s32 $0x6C80  }
0x5e: {  	[hbm4b:s4+s3] =	stream.indirect_vreg.scatter [tilespmem:s24], [sflag:$0x2], $0x80, v15, vm0, $0xb8;
	[tilespmem:$0x10480] =	vst v63  }
0x5f: {  	s25 =	simm.s32 $0x7480  }
0x60: {  	[hbm4b:s5+s3] =	stream.indirect_vreg.scatter [tilespmem:s25], [sflag:$0x2], $0x80, v15, vm0, $0xb8;
	[tilespmem:$0x10480] =	vst v63  }
0x61: {  	s26 =	simm.s32 $0x7C80  }
0x62: {  	[hbm4b:s6+s3] =	stream.indirect_vreg.scatter [tilespmem:s26], [sflag:$0x2], $0x80, v15, vm0, $0xb8;
	[tilespmem:$0x10480] =	vst v63  }
0x63: {  	v15 =	vld [tilespmem:$0xA0];
	_ =	sdelay $0x4  }
0x64: {  	v34 =	vshll.u32 v15, $0x3  }
0x65: {  	v15 =	vand.u32 $0x7, v15;
	v16 =	vand.u32 $0xFFFFFFC0, v34  }
0x66: {  	v15 =	vor.u32 v15, v16  }
0x67: {  	v16 =	vperm.xlane v15, v12;
	_ =	sdelay $0x1  }
0x68: {  	v16 =	vadd.s32 v13, v16;
	_ =	sdelay $0x3  }
0x69: {  	s28 =	simm.s32 $0x8480  }
0x6a: {  	[hbm4b:s2+s3] =	stream.indirect_vreg.scatter [tilespmem:s28], [sflag:$0x2], $0x80, v16, vm0, $0xb8;
	[tilespmem:$0x10480] =	vst v63  }
0x6b: {  	s29 =	simm.s32 $0x8C80;
	v15 =	vperm.xlane v15, v14  }
0x6c: {  	[hbm4b:s4+s3] =	stream.indirect_vreg.scatter [tilespmem:s29], [sflag:$0x2], $0x80, v16, vm0, $0xb8;
	[tilespmem:$0x10480] =	vst v63  }
0x6d: {  	s30 =	simm.s32 $0x9480;
	v15 =	vadd.s32 v13, v15  }
0x6e: {  	[hbm4b:s5+s3] =	stream.indirect_vreg.scatter [tilespmem:s30], [sflag:$0x2], $0x80, v16, vm0, $0xb8;
	[tilespmem:$0x10480] =	vst v63  }
0x6f: {  	s31 =	simm.s32 $0x9C80  }
0x70: {  	[hbm4b:s6+s3] =	stream.indirect_vreg.scatter [tilespmem:s31], [sflag:$0x2], $0x80, v16, vm0, $0xb8;
	[tilespmem:$0x10480] =	vst v63  }
0x71: {  	s8 =	simm.s32 $0xA480  }
0x72: {  	[hbm4b:s2+s3] =	stream.indirect_vreg.scatter [tilespmem:s8], [sflag:$0x2], $0x80, v15, vm0, $0xb8;
	[tilespmem:$0x10480] =	vst v63  }
0x73: {  	s9 =	simm.s32 $0xAC80  }
0x74: {  	[hbm4b:s4+s3] =	stream.indirect_vreg.scatter [tilespmem:s9], [sflag:$0x2], $0x80, v15, vm0, $0xb8;
	[tilespmem:$0x10480] =	vst v63  }
0x75: {  	s10 =	simm.s32 $0xB480  }
0x76: {  	[hbm4b:s5+s3] =	stream.indirect_vreg.scatter [tilespmem:s10], [sflag:$0x2], $0x80, v15, vm0, $0xb8;
	[tilespmem:$0x10480] =	vst v63  }
0x77: {  	s20 =	simm.s32 $0xBC80  }
0x78: {  	[hbm4b:s6+s3] =	stream.indirect_vreg.scatter [tilespmem:s20], [sflag:$0x2], $0x80, v15, vm0, $0xb8;
	[tilespmem:$0x10480] =	vst v63  }
0x79: {  	v15 =	vld [tilespmem:$0xB0];
	_ =	sdelay $0x4  }
0x7a: {  	v35 =	vshll.u32 v15, $0x3  }
0x7b: {  	v15 =	vand.u32 $0x7, v15;
	v16 =	vand.u32 $0xFFFFFFC0, v35  }
0x7c: {  	v15 =	vor.u32 v15, v16  }
0x7d: {  	v16 =	vperm.xlane v15, v12;
	_ =	sdelay $0x1  }
0x7e: {  	v16 =	vadd.s32 v13, v16;
	_ =	sdelay $0x3  }
0x7f: {  	s24 =	simm.s32 $0xC480  }
0x80: {  	[hbm4b:s2+s3] =	stream.indirect_vreg.scatter [tilespmem:s24], [sflag:$0x2], $0x80, v16, vm0, $0xb8;
	[tilespmem:$0x10480] =	vst v63  }
0x81: {  	s25 =	simm.s32 $0xCC80;
	v15 =	vperm.xlane v15, v14  }
0x82: {  	[hbm4b:s4+s3] =	stream.indirect_vreg.scatter [tilespmem:s25], [sflag:$0x2], $0x80, v16, vm0, $0xb8;
	[tilespmem:$0x10480] =	vst v63  }
0x83: {  	s26 =	simm.s32 $0xD480;
	v15 =	vadd.s32 v13, v15  }
0x84: {  	[hbm4b:s5+s3] =	stream.indirect_vreg.scatter [tilespmem:s26], [sflag:$0x2], $0x80, v16, vm0, $0xb8;
	[tilespmem:$0x10480] =	vst v63  }
0x85: {  	s28 =	simm.s32 $0xDC80  }
0x86: {  	[hbm4b:s6+s3] =	stream.indirect_vreg.scatter [tilespmem:s28], [sflag:$0x2], $0x80, v16, vm0, $0xb8;
	[tilespmem:$0x10480] =	vst v63  }
0x87: {  	s29 =	simm.s32 $0xE480  }
0x88: {  	[hbm4b:s2+s3] =	stream.indirect_vreg.scatter [tilespmem:s29], [sflag:$0x2], $0x80, v15, vm0, $0xb8;
	[tilespmem:$0x10480] =	vst v63  }
0x89: {  	s30 =	simm.s32 $0xEC80  }
0x8a: {  	[hbm4b:s4+s3] =	stream.indirect_vreg.scatter [tilespmem:s30], [sflag:$0x2], $0x80, v15, vm0, $0xb8;
	[tilespmem:$0x10480] =	vst v63  }
0x8b: {  	s31 =	simm.s32 $0xF480  }
0x8c: {  	[hbm4b:s5+s3] =	stream.indirect_vreg.scatter [tilespmem:s31], [sflag:$0x2], $0x80, v15, vm0, $0xb8;
	[tilespmem:$0x10480] =	vst v63  }
0x8d: {  	s20 =	simm.s32 $0xFC80  }
0x8e: {  	[hbm4b:s6+s3] =	stream.indirect_vreg.scatter [tilespmem:s20], [sflag:$0x2], $0x80, v15, vm0, $0xb8;
	[tilespmem:$0x10480] =	vst v63  }
0x8f: {  	v15 =	vld [tilespmem:$0x100];
	_ =	sdelay $0x4  }
0x90: {  	v36 =	vshll.u32 v15, $0x3  }
0x91: {  	v15 =	vand.u32 $0x7, v15;
	v16 =	vand.u32 $0xFFFFFFC0, v36  }
0x92: {  	v15 =	vor.u32 v15, v16  }
0x93: {  	v16 =	vperm.xlane v15, v12;
	_ =	sdelay $0x1  }
0x94: {  	v16 =	vadd.s32 v13, v16;
	_ =	sdelay $0x4  }
0x95: {  	[hbm4b:s2+s3] =	stream.indirect_vreg.scatter [tilespmem:s0], [sflag:$0x2], $0x80, v16, vm0, $0xb8;
	[tilespmem:$0x10480] =	vst v63  }
0x96: {  	s7 =	simm.s32 $0xC80;
	v15 =	vperm.xlane v15, v14  }
0x97: {  	[hbm4b:s4+s3] =	stream.indirect_vreg.scatter [tilespmem:s7], [sflag:$0x2], $0x80, v16, vm0, $0xb8;
	[tilespmem:$0x10480] =	vst v63  }
0x98: {  	s11 =	simm.s32 $0x1480;
	v15 =	vadd.s32 v13, v15  }
0x99: {  	[hbm4b:s5+s3] =	stream.indirect_vreg.scatter [tilespmem:s11], [sflag:$0x2], $0x80, v16, vm0, $0xb8;
	[tilespmem:$0x10480] =	vst v63  }
0x9a: {  	s14 =	simm.s32 $0x1C80  }
0x9b: {  	[hbm4b:s6+s3] =	stream.indirect_vreg.scatter [tilespmem:s14], [sflag:$0x2], $0x80, v16, vm0, $0xb8;
	[tilespmem:$0x10480] =	vst v63  }
0x9c: {  	s15 =	simm.s32 $0x2480  }
0x9d: {  	[hbm4b:s2+s3] =	stream.indirect_vreg.scatter [tilespmem:s15], [sflag:$0x2], $0x80, v15, vm0, $0xb8;
	[tilespmem:$0x10480] =	vst v63  }
0x9e: {  	s16 =	simm.s32 $0x2C80  }
0x9f: {  	[hbm4b:s4+s3] =	stream.indirect_vreg.scatter [tilespmem:s16], [sflag:$0x2], $0x80, v15, vm0, $0xb8;
	[tilespmem:$0x10480] =	vst v63  }
0xa0: {  	s17 =	simm.s32 $0x3480  }
0xa1: {  	[hbm4b:s5+s3] =	stream.indirect_vreg.scatter [tilespmem:s17], [sflag:$0x2], $0x80, v15, vm0, $0xb8;
	[tilespmem:$0x10480] =	vst v63  }
0xa2: {  	s21 =	simm.s32 $0x3C80  }
0xa3: {  	[hbm4b:s6+s3] =	stream.indirect_vreg.scatter [tilespmem:s21], [sflag:$0x2], $0x80, v15, vm0, $0xb8;
	[tilespmem:$0x10480] =	vst v63  }
0xa4: {  	v15 =	vld [tilespmem:$0x110];
	_ =	sdelay $0x4  }
0xa5: {  	v37 =	vshll.u32 v15, $0x3  }
0xa6: {  	v15 =	vand.u32 $0x7, v15;
	v16 =	vand.u32 $0xFFFFFFC0, v37  }
0xa7: {  	v15 =	vor.u32 v15, v16  }
0xa8: {  	v16 =	vperm.xlane v15, v12;
	_ =	sdelay $0x1  }
0xa9: {  	v16 =	vadd.s32 v13, v16;
	_ =	sdelay $0x3  }
0xaa: {  	s22 =	simm.s32 $0x4480  }
0xab: {  	[hbm4b:s2+s3] =	stream.indirect_vreg.scatter [tilespmem:s22], [sflag:$0x2], $0x80, v16, vm0, $0xb8;
	[tilespmem:$0x10480] =	vst v63  }
0xac: {  	s23 =	simm.s32 $0x4C80;
	v15 =	vperm.xlane v15, v14  }
0xad: {  	[hbm4b:s4+s3] =	stream.indirect_vreg.scatter [tilespmem:s23], [sflag:$0x2], $0x80, v16, vm0, $0xb8;
	[tilespmem:$0x10480] =	vst v63  }
0xae: {  	v15 =	vadd.s32 v13, v15;
	s23 =	simm.s32 $0x5480  }
0xaf: {  	[hbm4b:s5+s3] =	stream.indirect_vreg.scatter [tilespmem:s23], [sflag:$0x2], $0x80, v16, vm0, $0xb8;
	[tilespmem:$0x10480] =	vst v63  }
0xb0: {  	s19 =	simm.s32 $0x5C80  }
0xb1: {  	[hbm4b:s6+s3] =	stream.indirect_vreg.scatter [tilespmem:s19], [sflag:$0x2], $0x80, v16, vm0, $0xb8;
	[tilespmem:$0x10480] =	vst v63  }
0xb2: {  	s0 =	simm.s32 $0x6480  }
0xb3: {  	[hbm4b:s2+s3] =	stream.indirect_vreg.scatter [tilespmem:s0], [sflag:$0x2], $0x80, v15, vm0, $0xb8;
	[tilespmem:$0x10480] =	vst v63  }
0xb4: {  	s19 =	simm.s32 $0x6C80  }
0xb5: {  	[hbm4b:s4+s3] =	stream.indirect_vreg.scatter [tilespmem:s19], [sflag:$0x2], $0x80, v15, vm0, $0xb8;
	[tilespmem:$0x10480] =	vst v63  }
0xb6: {  	s7 =	simm.s32 $0x7480  }
0xb7: {  	[hbm4b:s5+s3] =	stream.indirect_vreg.scatter [tilespmem:s7], [sflag:$0x2], $0x80, v15, vm0, $0xb8;
	[tilespmem:$0x10480] =	vst v63  }
0xb8: {  	s11 =	simm.s32 $0x7C80  }
0xb9: {  	[hbm4b:s6+s3] =	stream.indirect_vreg.scatter [tilespmem:s11], [sflag:$0x2], $0x80, v15, vm0, $0xb8;
	[tilespmem:$0x10480] =	vst v63  }
0xba: {  	v15 =	vld [tilespmem:$0x120];
	_ =	sdelay $0x4  }
0xbb: {  	v38 =	vshll.u32 v15, $0x3  }
0xbc: {  	v15 =	vand.u32 $0x7, v15;
	v16 =	vand.u32 $0xFFFFFFC0, v38  }
0xbd: {  	v15 =	vor.u32 v15, v16  }
0xbe: {  	v16 =	vperm.xlane v15, v12;
	_ =	sdelay $0x1  }
0xbf: {  	v16 =	vadd.s32 v13, v16;
	_ =	sdelay $0x3  }
0xc0: {  	s12 =	simm.s32 $0x8480  }
0xc1: {  	[hbm4b:s2+s3] =	stream.indirect_vreg.scatter [tilespmem:s12], [sflag:$0x2], $0x80, v16, vm0, $0xb8;
	[tilespmem:$0x10480] =	vst v63  }
0xc2: {  	s13 =	simm.s32 $0x8C80;
	v15 =	vperm.xlane v15, v14  }
0xc3: {  	[hbm4b:s4+s3] =	stream.indirect_vreg.scatter [tilespmem:s13], [sflag:$0x2], $0x80, v16, vm0, $0xb8;
	[tilespmem:$0x10480] =	vst v63  }
0xc4: {  	v15 =	vadd.s32 v13, v15;
	s12 =	simm.s32 $0x9480  }
0xc5: {  	[hbm4b:s5+s3] =	stream.indirect_vreg.scatter [tilespmem:s12], [sflag:$0x2], $0x80, v16, vm0, $0xb8;
	[tilespmem:$0x10480] =	vst v63  }
0xc6: {  	s13 =	simm.s32 $0x9C80  }
0xc7: {  	[hbm4b:s6+s3] =	stream.indirect_vreg.scatter [tilespmem:s13], [sflag:$0x2], $0x80, v16, vm0, $0xb8;
	[tilespmem:$0x10480] =	vst v63  }
0xc8: {  	s14 =	simm.s32 $0xA480  }
0xc9: {  	[hbm4b:s2+s3] =	stream.indirect_vreg.scatter [tilespmem:s14], [sflag:$0x2], $0x80, v15, vm0, $0xb8;
	[tilespmem:$0x10480] =	vst v63  }
0xca: {  	s15 =	simm.s32 $0xAC80  }
0xcb: {  	[hbm4b:s4+s3] =	stream.indirect_vreg.scatter [tilespmem:s15], [sflag:$0x2], $0x80, v15, vm0, $0xb8;
	[tilespmem:$0x10480] =	vst v63  }
0xcc: {  	s16 =	simm.s32 $0xB480  }
0xcd: {  	[hbm4b:s5+s3] =	stream.indirect_vreg.scatter [tilespmem:s16], [sflag:$0x2], $0x80, v15, vm0, $0xb8;
	[tilespmem:$0x10480] =	vst v63  }
0xce: {  	s17 =	simm.s32 $0xBC80  }
0xcf: {  	[hbm4b:s6+s3] =	stream.indirect_vreg.scatter [tilespmem:s17], [sflag:$0x2], $0x80, v15, vm0, $0xb8;
	[tilespmem:$0x10480] =	vst v63  }
0xd0: {  	v15 =	vld [tilespmem:$0x130];
	_ =	sdelay $0x4  }
0xd1: {  	v39 =	vshll.u32 v15, $0x3  }
0xd2: {  	v15 =	vand.u32 $0x7, v15;
	v16 =	vand.u32 $0xFFFFFFC0, v39  }
0xd3: {  	v15 =	vor.u32 v15, v16  }
0xd4: {  	v16 =	vperm.xlane v15, v12;
	_ =	sdelay $0x1  }
0xd5: {  	v16 =	vadd.s32 v13, v16;
	_ =	sdelay $0x3  }
0xd6: {  	s10 =	simm.s32 $0xC480  }
0xd7: {  	[hbm4b:s2+s3] =	stream.indirect_vreg.scatter [tilespmem:s10], [sflag:$0x2], $0x80, v16, vm0, $0xb8;
	[tilespmem:$0x10480] =	vst v63  }
0xd8: {  	v15 =	vperm.xlane v15, v14;
	s10 =	simm.s32 $0xCC80  }
0xd9: {  	[hbm4b:s4+s3] =	stream.indirect_vreg.scatter [tilespmem:s10], [sflag:$0x2], $0x80, v16, vm0, $0xb8;
	[tilespmem:$0x10480] =	vst v63  }
0xda: {  	s1 =	simm.s32 $0xD480;
	v15 =	vadd.s32 v13, v15  }
0xdb: {  	[hbm4b:s5+s3] =	stream.indirect_vreg.scatter [tilespmem:s1], [sflag:$0x2], $0x80, v16, vm0, $0xb8;
	[tilespmem:$0x10480] =	vst v63  }
0xdc: {  	s8 =	simm.s32 $0xDC80  }
0xdd: {  	[hbm4b:s6+s3] =	stream.indirect_vreg.scatter [tilespmem:s8], [sflag:$0x2], $0x80, v16, vm0, $0xb8;
	[tilespmem:$0x10480] =	vst v63  }
0xde: {  	s8 =	simm.s32 $0xE480  }
0xdf: {  	[hbm4b:s2+s3] =	stream.indirect_vreg.scatter [tilespmem:s8], [sflag:$0x2], $0x80, v15, vm0, $0xb8;
	[tilespmem:$0x10480] =	vst v63  }
0xe0: {  	s9 =	simm.s32 $0xEC80  }
0xe1: {  	[hbm4b:s4+s3] =	stream.indirect_vreg.scatter [tilespmem:s9], [sflag:$0x2], $0x80, v15, vm0, $0xb8;
	[tilespmem:$0x10480] =	vst v63  }
0xe2: {  	s9 =	simm.s32 $0xF480  }
0xe3: {  	[hbm4b:s5+s3] =	stream.indirect_vreg.scatter [tilespmem:s9], [sflag:$0x2], $0x80, v15, vm0, $0xb8;
	[tilespmem:$0x10480] =	vst v63  }
0xe4: {  	s30 =	simm.s32 $0xFC80  }
0xe5: {  	[hbm4b:s6+s3] =	stream.indirect_vreg.scatter [tilespmem:s30], [sflag:$0x2], $0x80, v15, vm0, $0xb8;
	[tilespmem:$0x10480] =	vst v63  }
0xe6: {  	v15 =	vld [tilespmem:$0x180];
	_ =	sdelay $0x4  }
0xe7: {  	v40 =	vshll.u32 v15, $0x3  }
0xe8: {  	v15 =	vand.u32 $0x7, v15;
	v16 =	vand.u32 $0xFFFFFFC0, v40  }
0xe9: {  	v15 =	vor.u32 v15, v16  }
0xea: {  	v16 =	vperm.xlane v15, v12;
	_ =	sdelay $0x1  }
0xeb: {  	v16 =	vadd.s32 v13, v16;
	_ =	sdelay $0x3  }
0xec: {  	s20 =	simm.s32 $0x480  }
0xed: {  	[hbm4b:s2+s3] =	stream.indirect_vreg.scatter [tilespmem:s20], [sflag:$0x2], $0x80, v16, vm0, $0xb8;
	[tilespmem:$0x10480] =	vst v63  }
0xee: {  	s24 =	simm.s32 $0xC80;
	v15 =	vperm.xlane v15, v14  }
0xef: {  	[hbm4b:s4+s3] =	stream.indirect_vreg.scatter [tilespmem:s24], [sflag:$0x2], $0x80, v16, vm0, $0xb8;
	[tilespmem:$0x10480] =	vst v63  }
0xf0: {  	s25 =	simm.s32 $0x1480;
	v15 =	vadd.s32 v13, v15  }
0xf1: {  	[hbm4b:s5+s3] =	stream.indirect_vreg.scatter [tilespmem:s25], [sflag:$0x2], $0x80, v16, vm0, $0xb8;
	[tilespmem:$0x10480] =	vst v63  }
0xf2: {  	s26 =	simm.s32 $0x1C80  }
0xf3: {  	[hbm4b:s6+s3] =	stream.indirect_vreg.scatter [tilespmem:s26], [sflag:$0x2], $0x80, v16, vm0, $0xb8;
	[tilespmem:$0x10480] =	vst v63  }
0xf4: {  	s28 =	simm.s32 $0x2480  }
0xf5: {  	[hbm4b:s2+s3] =	stream.indirect_vreg.scatter [tilespmem:s28], [sflag:$0x2], $0x80, v15, vm0, $0xb8;
	[tilespmem:$0x10480] =	vst v63  }
0xf6: {  	s29 =	simm.s32 $0x2C80  }
0xf7: {  	[hbm4b:s4+s3] =	stream.indirect_vreg.scatter [tilespmem:s29], [sflag:$0x2], $0x80, v15, vm0, $0xb8;
	[tilespmem:$0x10480] =	vst v63  }
0xf8: {  	s31 =	simm.s32 $0x3480  }
0xf9: {  	[hbm4b:s5+s3] =	stream.indirect_vreg.scatter [tilespmem:s31], [sflag:$0x2], $0x80, v15, vm0, $0xb8;
	[tilespmem:$0x10480] =	vst v63  }
0xfa: {  	s31 =	simm.s32 $0x3C80  }
0xfb: {  	[hbm4b:s6+s3] =	stream.indirect_vreg.scatter [tilespmem:s31], [sflag:$0x2], $0x80, v15, vm0, $0xb8;
	[tilespmem:$0x10480] =	vst v63  }
0xfc: {  	v15 =	vld [tilespmem:$0x190];
	_ =	sdelay $0x4  }
0xfd: {  	v41 =	vshll.u32 v15, $0x3  }
0xfe: {  	v15 =	vand.u32 $0x7, v15;
	v16 =	vand.u32 $0xFFFFFFC0, v41  }
0xff: {  	v15 =	vor.u32 v15, v16  }
0x100: {  	v16 =	vperm.xlane v15, v12;
	_ =	sdelay $0x1  }
0x101: {  	v16 =	vadd.s32 v13, v16;
	_ =	sdelay $0x3  }
0x102: {  	s26 =	simm.s32 $0x4480  }
0x103: {  	[hbm4b:s2+s3] =	stream.indirect_vreg.scatter [tilespmem:s26], [sflag:$0x2], $0x80, v16, vm0, $0xb8;
	[tilespmem:$0x10480] =	vst v63  }
0x104: {  	s28 =	simm.s32 $0x4C80;
	v15 =	vperm.xlane v15, v14  }
0x105: {  	[hbm4b:s4+s3] =	stream.indirect_vreg.scatter [tilespmem:s28], [sflag:$0x2], $0x80, v16, vm0, $0xb8;
	[tilespmem:$0x10480] =	vst v63  }
0x106: {  	s29 =	simm.s32 $0x5480;
	v15 =	vadd.s32 v13, v15  }
0x107: {  	[hbm4b:s5+s3] =	stream.indirect_vreg.scatter [tilespmem:s29], [sflag:$0x2], $0x80, v16, vm0, $0xb8;
	[tilespmem:$0x10480] =	vst v63  }
0x108: {  	s31 =	simm.s32 $0x5C80  }
0x109: {  	[hbm4b:s6+s3] =	stream.indirect_vreg.scatter [tilespmem:s31], [sflag:$0x2], $0x80, v16, vm0, $0xb8;
	[tilespmem:$0x10480] =	vst v63  }
0x10a: {  	_ = 	snop  }
0x10b: {  	[hbm4b:s2+s3] =	stream.indirect_vreg.scatter [tilespmem:s0], [sflag:$0x2], $0x80, v15, vm0, $0xb8;
	[tilespmem:$0x10480] =	vst v63  }
0x10c: {  	_ = 	snop  }
0x10d: {  	[hbm4b:s4+s3] =	stream.indirect_vreg.scatter [tilespmem:s19], [sflag:$0x2], $0x80, v15, vm0, $0xb8;
	[tilespmem:$0x10480] =	vst v63  }
0x10e: {  	_ = 	snop  }
0x10f: {  	[hbm4b:s5+s3] =	stream.indirect_vreg.scatter [tilespmem:s7], [sflag:$0x2], $0x80, v15, vm0, $0xb8;
	[tilespmem:$0x10480] =	vst v63  }
0x110: {  	_ = 	snop  }
0x111: {  	[hbm4b:s6+s3] =	stream.indirect_vreg.scatter [tilespmem:s11], [sflag:$0x2], $0x80, v15, vm0, $0xb8;
	[tilespmem:$0x10480] =	vst v63  }
0x112: {  	v15 =	vld [tilespmem:$0x1A0];
	_ =	sdelay $0x4  }
0x113: {  	v42 =	vshll.u32 v15, $0x3  }
0x114: {  	v15 =	vand.u32 $0x7, v15;
	v16 =	vand.u32 $0xFFFFFFC0, v42  }
0x115: {  	v15 =	vor.u32 v15, v16  }
0x116: {  	v16 =	vperm.xlane v15, v12;
	_ =	sdelay $0x1  }
0x117: {  	v16 =	vadd.s32 v13, v16;
	_ =	sdelay $0x3  }
0x118: {  	s22 =	simm.s32 $0x8480  }
0x119: {  	[hbm4b:s2+s3] =	stream.indirect_vreg.scatter [tilespmem:s22], [sflag:$0x2], $0x80, v16, vm0, $0xb8;
	[tilespmem:$0x10480] =	vst v63  }
0x11a: {  	s23 =	simm.s32 $0x8C80;
	v15 =	vperm.xlane v15, v14  }
0x11b: {  	[hbm4b:s4+s3] =	stream.indirect_vreg.scatter [tilespmem:s23], [sflag:$0x2], $0x80, v16, vm0, $0xb8;
	[tilespmem:$0x10480] =	vst v63  }
0x11c: {  	v15 =	vadd.s32 v13, v15  }
0x11d: {  	[hbm4b:s5+s3] =	stream.indirect_vreg.scatter [tilespmem:s12], [sflag:$0x2], $0x80, v16, vm0, $0xb8;
	[tilespmem:$0x10480] =	vst v63  }
0x11e: {  	_ = 	snop  }
0x11f: {  	[hbm4b:s6+s3] =	stream.indirect_vreg.scatter [tilespmem:s13], [sflag:$0x2], $0x80, v16, vm0, $0xb8;
	[tilespmem:$0x10480] =	vst v63  }
0x120: {  	_ = 	snop  }
0x121: {  	[hbm4b:s2+s3] =	stream.indirect_vreg.scatter [tilespmem:s14], [sflag:$0x2], $0x80, v15, vm0, $0xb8;
	[tilespmem:$0x10480] =	vst v63  }
0x122: {  	_ = 	snop  }
0x123: {  	[hbm4b:s4+s3] =	stream.indirect_vreg.scatter [tilespmem:s15], [sflag:$0x2], $0x80, v15, vm0, $0xb8;
	[tilespmem:$0x10480] =	vst v63  }
0x124: {  	_ = 	snop  }
0x125: {  	[hbm4b:s5+s3] =	stream.indirect_vreg.scatter [tilespmem:s16], [sflag:$0x2], $0x80, v15, vm0, $0xb8;
	[tilespmem:$0x10480] =	vst v63  }
0x126: {  	_ = 	snop  }
0x127: {  	[hbm4b:s6+s3] =	stream.indirect_vreg.scatter [tilespmem:s17], [sflag:$0x2], $0x80, v15, vm0, $0xb8;
	[tilespmem:$0x10480] =	vst v63  }
0x128: {  	v15 =	vld [tilespmem:$0x1B0];
	_ =	sdelay $0x4  }
0x129: {  	v43 =	vshll.u32 v15, $0x3  }
0x12a: {  	v15 =	vand.u32 $0x7, v15;
	v16 =	vand.u32 $0xFFFFFFC0, v43  }
0x12b: {  	v15 =	vor.u32 v15, v16  }
0x12c: {  	v16 =	vperm.xlane v15, v12;
	_ =	sdelay $0x1  }
0x12d: {  	v16 =	vadd.s32 v13, v16;
	_ =	sdelay $0x3  }
0x12e: {  	s21 =	simm.s32 $0xC480  }
0x12f: {  	[hbm4b:s2+s3] =	stream.indirect_vreg.scatter [tilespmem:s21], [sflag:$0x2], $0x80, v16, vm0, $0xb8;
	[tilespmem:$0x10480] =	vst v63  }
0x130: {  	v15 =	vperm.xlane v15, v14  }
0x131: {  	[hbm4b:s4+s3] =	stream.indirect_vreg.scatter [tilespmem:s10], [sflag:$0x2], $0x80, v16, vm0, $0xb8;
	[tilespmem:$0x10480] =	vst v63  }
0x132: {  	v15 =	vadd.s32 v13, v15  }
0x133: {  	[hbm4b:s5+s3] =	stream.indirect_vreg.scatter [tilespmem:s1], [sflag:$0x2], $0x80, v16, vm0, $0xb8;
	[tilespmem:$0x10480] =	vst v63  }
0x134: {  	s21 =	simm.s32 $0xDC80  }
0x135: {  	[hbm4b:s6+s3] =	stream.indirect_vreg.scatter [tilespmem:s21], [sflag:$0x2], $0x80, v16, vm0, $0xb8;
	[tilespmem:$0x10480] =	vst v63  }
0x136: {  	_ = 	snop  }
0x137: {  	[hbm4b:s2+s3] =	stream.indirect_vreg.scatter [tilespmem:s8], [sflag:$0x2], $0x80, v15, vm0, $0xb8;
	[tilespmem:$0x10480] =	vst v63  }
0x138: {  	s22 =	simm.s32 $0xEC80  }
0x139: {  	[hbm4b:s4+s3] =	stream.indirect_vreg.scatter [tilespmem:s22], [sflag:$0x2], $0x80, v15, vm0, $0xb8;
	[tilespmem:$0x10480] =	vst v63  }
0x13a: {  	_ = 	snop  }
0x13b: {  	[hbm4b:s5+s3] =	stream.indirect_vreg.scatter [tilespmem:s9], [sflag:$0x2], $0x80, v15, vm0, $0xb8;
	[tilespmem:$0x10480] =	vst v63  }
0x13c: {  	s30 =	simm.s32 $0xFC80  }
0x13d: {  	[hbm4b:s6+s3] =	stream.indirect_vreg.scatter [tilespmem:s30], [sflag:$0x2], $0x80, v15, vm0, $0xb8;
	[tilespmem:$0x10480] =	vst v63  }
0x13e: {  	v15 =	vld [tilespmem:$0x200];
	_ =	sdelay $0x4  }
0x13f: {  	v44 =	vshll.u32 v15, $0x3  }
0x140: {  	v15 =	vand.u32 $0x7, v15;
	v16 =	vand.u32 $0xFFFFFFC0, v44  }
0x141: {  	v15 =	vor.u32 v15, v16  }
0x142: {  	v16 =	vperm.xlane v15, v12;
	_ =	sdelay $0x1  }
0x143: {  	v16 =	vadd.s32 v13, v16;
	_ =	sdelay $0x3  }
0x144: {  	s23 =	simm.s32 $0x480  }
0x145: {  	[hbm4b:s2+s3] =	stream.indirect_vreg.scatter [tilespmem:s23], [sflag:$0x2], $0x80, v16, vm0, $0xb8;
	[tilespmem:$0x10480] =	vst v63  }
0x146: {  	s24 =	simm.s32 $0xC80;
	v15 =	vperm.xlane v15, v14  }
0x147: {  	[hbm4b:s4+s3] =	stream.indirect_vreg.scatter [tilespmem:s24], [sflag:$0x2], $0x80, v16, vm0, $0xb8;
	[tilespmem:$0x10480] =	vst v63  }
0x148: {  	s25 =	simm.s32 $0x1480;
	v15 =	vadd.s32 v13, v15  }
0x149: {  	[hbm4b:s5+s3] =	stream.indirect_vreg.scatter [tilespmem:s25], [sflag:$0x2], $0x80, v16, vm0, $0xb8;
	[tilespmem:$0x10480] =	vst v63  }
0x14a: {  	s30 =	simm.s32 $0x1C80  }
0x14b: {  	[hbm4b:s6+s3] =	stream.indirect_vreg.scatter [tilespmem:s30], [sflag:$0x2], $0x80, v16, vm0, $0xb8;
	[tilespmem:$0x10480] =	vst v63  }
0x14c: {  	s30 =	simm.s32 $0x2480  }
0x14d: {  	[hbm4b:s2+s3] =	stream.indirect_vreg.scatter [tilespmem:s30], [sflag:$0x2], $0x80, v15, vm0, $0xb8;
	[tilespmem:$0x10480] =	vst v63  }
0x14e: {  	s30 =	simm.s32 $0x2C80  }
0x14f: {  	[hbm4b:s4+s3] =	stream.indirect_vreg.scatter [tilespmem:s30], [sflag:$0x2], $0x80, v15, vm0, $0xb8;
	[tilespmem:$0x10480] =	vst v63  }
0x150: {  	s30 =	simm.s32 $0x3480  }
0x151: {  	[hbm4b:s5+s3] =	stream.indirect_vreg.scatter [tilespmem:s30], [sflag:$0x2], $0x80, v15, vm0, $0xb8;
	[tilespmem:$0x10480] =	vst v63  }
0x152: {  	s30 =	simm.s32 $0x3C80  }
0x153: {  	[hbm4b:s6+s3] =	stream.indirect_vreg.scatter [tilespmem:s30], [sflag:$0x2], $0x80, v15, vm0, $0xb8;
	[tilespmem:$0x10480] =	vst v63  }
0x154: {  	v15 =	vld [tilespmem:$0x210];
	_ =	sdelay $0x4  }
0x155: {  	v45 =	vshll.u32 v15, $0x3  }
0x156: {  	v15 =	vand.u32 $0x7, v15;
	v16 =	vand.u32 $0xFFFFFFC0, v45  }
0x157: {  	v15 =	vor.u32 v15, v16  }
0x158: {  	v16 =	vperm.xlane v15, v12;
	_ =	sdelay $0x1  }
0x159: {  	v16 =	vadd.s32 v13, v16;
	_ =	sdelay $0x3  }
0x15a: {  	s30 =	simm.s32 $0x4480  }
0x15b: {  	[hbm4b:s2+s3] =	stream.indirect_vreg.scatter [tilespmem:s30], [sflag:$0x2], $0x80, v16, vm0, $0xb8;
	[tilespmem:$0x10480] =	vst v63  }
0x15c: {  	v15 =	vperm.xlane v15, v14;
	s30 =	simm.s32 $0x4C80  }
0x15d: {  	[hbm4b:s4+s3] =	stream.indirect_vreg.scatter [tilespmem:s30], [sflag:$0x2], $0x80, v16, vm0, $0xb8;
	[tilespmem:$0x10480] =	vst v63  }
0x15e: {  	v15 =	vadd.s32 v13, v15;
	s30 =	simm.s32 $0x5480  }
0x15f: {  	[hbm4b:s5+s3] =	stream.indirect_vreg.scatter [tilespmem:s30], [sflag:$0x2], $0x80, v16, vm0, $0xb8;
	[tilespmem:$0x10480] =	vst v63  }
0x160: {  	s30 =	simm.s32 $0x5C80  }
0x161: {  	[hbm4b:s6+s3] =	stream.indirect_vreg.scatter [tilespmem:s30], [sflag:$0x2], $0x80, v16, vm0, $0xb8;
	[tilespmem:$0x10480] =	vst v63  }
0x162: {  	s31 =	simm.s32 $0x6480  }
0x163: {  	[hbm4b:s2+s3] =	stream.indirect_vreg.scatter [tilespmem:s31], [sflag:$0x2], $0x80, v15, vm0, $0xb8;
	[tilespmem:$0x10480] =	vst v63  }
0x164: {  	s19 =	simm.s32 $0x6C80  }
0x165: {  	[hbm4b:s4+s3] =	stream.indirect_vreg.scatter [tilespmem:s19], [sflag:$0x2], $0x80, v15, vm0, $0xb8;
	[tilespmem:$0x10480] =	vst v63  }
0x166: {  	s0 =	simm.s32 $0x7480  }
0x167: {  	[hbm4b:s5+s3] =	stream.indirect_vreg.scatter [tilespmem:s0], [sflag:$0x2], $0x80, v15, vm0, $0xb8;
	[tilespmem:$0x10480] =	vst v63  }
0x168: {  	s20 =	simm.s32 $0x7C80  }
0x169: {  	[hbm4b:s6+s3] =	stream.indirect_vreg.scatter [tilespmem:s20], [sflag:$0x2], $0x80, v15, vm0, $0xb8;
	[tilespmem:$0x10480] =	vst v63  }
0x16a: {  	v15 =	vld [tilespmem:$0x220];
	_ =	sdelay $0x4  }
0x16b: {  	v46 =	vshll.u32 v15, $0x3  }
0x16c: {  	v15 =	vand.u32 $0x7, v15;
	v16 =	vand.u32 $0xFFFFFFC0, v46  }
0x16d: {  	v15 =	vor.u32 v15, v16  }
0x16e: {  	v16 =	vperm.xlane v15, v12;
	_ =	sdelay $0x1  }
0x16f: {  	v16 =	vadd.s32 v13, v16;
	_ =	sdelay $0x3  }
0x170: {  	s28 =	simm.s32 $0x8480  }
0x171: {  	[hbm4b:s2+s3] =	stream.indirect_vreg.scatter [tilespmem:s28], [sflag:$0x2], $0x80, v16, vm0, $0xb8;
	[tilespmem:$0x10480] =	vst v63  }
0x172: {  	s29 =	simm.s32 $0x8C80;
	v15 =	vperm.xlane v15, v14  }
0x173: {  	[hbm4b:s4+s3] =	stream.indirect_vreg.scatter [tilespmem:s29], [sflag:$0x2], $0x80, v16, vm0, $0xb8;
	[tilespmem:$0x10480] =	vst v63  }
0x174: {  	s12 =	simm.s32 $0x9480;
	v15 =	vadd.s32 v13, v15  }
0x175: {  	[hbm4b:s5+s3] =	stream.indirect_vreg.scatter [tilespmem:s12], [sflag:$0x2], $0x80, v16, vm0, $0xb8;
	[tilespmem:$0x10480] =	vst v63  }
0x176: {  	s13 =	simm.s32 $0x9C80  }
0x177: {  	[hbm4b:s6+s3] =	stream.indirect_vreg.scatter [tilespmem:s13], [sflag:$0x2], $0x80, v16, vm0, $0xb8;
	[tilespmem:$0x10480] =	vst v63  }
0x178: {  	s14 =	simm.s32 $0xA480  }
0x179: {  	[hbm4b:s2+s3] =	stream.indirect_vreg.scatter [tilespmem:s14], [sflag:$0x2], $0x80, v15, vm0, $0xb8;
	[tilespmem:$0x10480] =	vst v63  }
0x17a: {  	s15 =	simm.s32 $0xAC80  }
0x17b: {  	[hbm4b:s4+s3] =	stream.indirect_vreg.scatter [tilespmem:s15], [sflag:$0x2], $0x80, v15, vm0, $0xb8;
	[tilespmem:$0x10480] =	vst v63  }
0x17c: {  	s16 =	simm.s32 $0xB480  }
0x17d: {  	[hbm4b:s5+s3] =	stream.indirect_vreg.scatter [tilespmem:s16], [sflag:$0x2], $0x80, v15, vm0, $0xb8;
	[tilespmem:$0x10480] =	vst v63  }
0x17e: {  	s17 =	simm.s32 $0xBC80  }
0x17f: {  	[hbm4b:s6+s3] =	stream.indirect_vreg.scatter [tilespmem:s17], [sflag:$0x2], $0x80, v15, vm0, $0xb8;
	[tilespmem:$0x10480] =	vst v63  }
0x180: {  	v15 =	vld [tilespmem:$0x230];
	_ =	sdelay $0x4  }
0x181: {  	v47 =	vshll.u32 v15, $0x3  }
0x182: {  	v15 =	vand.u32 $0x7, v15;
	v16 =	vand.u32 $0xFFFFFFC0, v47  }
0x183: {  	v15 =	vor.u32 v15, v16  }
0x184: {  	v16 =	vperm.xlane v15, v12;
	_ =	sdelay $0x1  }
0x185: {  	v16 =	vadd.s32 v13, v16;
	_ =	sdelay $0x3  }
0x186: {  	s26 =	simm.s32 $0xC480  }
0x187: {  	[hbm4b:s2+s3] =	stream.indirect_vreg.scatter [tilespmem:s26], [sflag:$0x2], $0x80, v16, vm0, $0xb8;
	[tilespmem:$0x10480] =	vst v63  }
0x188: {  	s11 =	simm.s32 $0xCC80;
	v15 =	vperm.xlane v15, v14  }
0x189: {  	[hbm4b:s4+s3] =	stream.indirect_vreg.scatter [tilespmem:s11], [sflag:$0x2], $0x80, v16, vm0, $0xb8;
	[tilespmem:$0x10480] =	vst v63  }
0x18a: {  	s1 =	simm.s32 $0xD480;
	v15 =	vadd.s32 v13, v15  }
0x18b: {  	[hbm4b:s5+s3] =	stream.indirect_vreg.scatter [tilespmem:s1], [sflag:$0x2], $0x80, v16, vm0, $0xb8;
	[tilespmem:$0x10480] =	vst v63  }
0x18c: {  	s21 =	simm.s32 $0xDC80  }
0x18d: {  	[hbm4b:s6+s3] =	stream.indirect_vreg.scatter [tilespmem:s21], [sflag:$0x2], $0x80, v16, vm0, $0xb8;
	[tilespmem:$0x10480] =	vst v63  }
0x18e: {  	s7 =	simm.s32 $0xE480  }
0x18f: {  	[hbm4b:s2+s3] =	stream.indirect_vreg.scatter [tilespmem:s7], [sflag:$0x2], $0x80, v15, vm0, $0xb8;
	[tilespmem:$0x10480] =	vst v63  }
0x190: {  	s10 =	simm.s32 $0xEC80  }
0x191: {  	[hbm4b:s4+s3] =	stream.indirect_vreg.scatter [tilespmem:s10], [sflag:$0x2], $0x80, v15, vm0, $0xb8;
	[tilespmem:$0x10480] =	vst v63  }
0x192: {  	s8 =	simm.s32 $0xF480  }
0x193: {  	[hbm4b:s5+s3] =	stream.indirect_vreg.scatter [tilespmem:s8], [sflag:$0x2], $0x80, v15, vm0, $0xb8;
	[tilespmem:$0x10480] =	vst v63  }
0x194: {  	s9 =	simm.s32 $0xFC80  }
0x195: {  	[hbm4b:s6+s3] =	stream.indirect_vreg.scatter [tilespmem:s9], [sflag:$0x2], $0x80, v15, vm0, $0xb8;
	[tilespmem:$0x10480] =	vst v63  }
0x196: {  	v15 =	vld [tilespmem:$0x280];
	_ =	sdelay $0x4  }
0x197: {  	v48 =	vshll.u32 v15, $0x3  }
0x198: {  	v15 =	vand.u32 $0x7, v15;
	v16 =	vand.u32 $0xFFFFFFC0, v48  }
0x199: {  	v15 =	vor.u32 v15, v16  }
0x19a: {  	v16 =	vperm.xlane v15, v12;
	_ =	sdelay $0x1  }
0x19b: {  	v16 =	vadd.s32 v13, v16;
	_ =	sdelay $0x3  }
0x19c: {  	s22 =	simm.s32 $0x480  }
0x19d: {  	[hbm4b:s2+s3] =	stream.indirect_vreg.scatter [tilespmem:s22], [sflag:$0x2], $0x80, v16, vm0, $0xb8;
	[tilespmem:$0x10480] =	vst v63  }
0x19e: {  	s23 =	simm.s32 $0xC80;
	v15 =	vperm.xlane v15, v14  }
0x19f: {  	[hbm4b:s4+s3] =	stream.indirect_vreg.scatter [tilespmem:s23], [sflag:$0x2], $0x80, v16, vm0, $0xb8;
	[tilespmem:$0x10480] =	vst v63  }
0x1a0: {  	s24 =	simm.s32 $0x1480;
	v15 =	vadd.s32 v13, v15  }
0x1a1: {  	[hbm4b:s5+s3] =	stream.indirect_vreg.scatter [tilespmem:s24], [sflag:$0x2], $0x80, v16, vm0, $0xb8;
	[tilespmem:$0x10480] =	vst v63  }
0x1a2: {  	s25 =	simm.s32 $0x1C80  }
0x1a3: {  	[hbm4b:s6+s3] =	stream.indirect_vreg.scatter [tilespmem:s25], [sflag:$0x2], $0x80, v16, vm0, $0xb8;
	[tilespmem:$0x10480] =	vst v63  }
0x1a4: {  	s25 =	simm.s32 $0x2480  }
0x1a5: {  	[hbm4b:s2+s3] =	stream.indirect_vreg.scatter [tilespmem:s25], [sflag:$0x2], $0x80, v15, vm0, $0xb8;
	[tilespmem:$0x10480] =	vst v63  }
0x1a6: {  	s25 =	simm.s32 $0x2C80  }
0x1a7: {  	[hbm4b:s4+s3] =	stream.indirect_vreg.scatter [tilespmem:s25], [sflag:$0x2], $0x80, v15, vm0, $0xb8;
	[tilespmem:$0x10480] =	vst v63  }
0x1a8: {  	s25 =	simm.s32 $0x3480  }
0x1a9: {  	[hbm4b:s5+s3] =	stream.indirect_vreg.scatter [tilespmem:s25], [sflag:$0x2], $0x80, v15, vm0, $0xb8;
	[tilespmem:$0x10480] =	vst v63  }
0x1aa: {  	s25 =	simm.s32 $0x3C80  }
0x1ab: {  	[hbm4b:s6+s3] =	stream.indirect_vreg.scatter [tilespmem:s25], [sflag:$0x2], $0x80, v15, vm0, $0xb8;
	[tilespmem:$0x10480] =	vst v63  }
0x1ac: {  	v15 =	vld [tilespmem:$0x290];
	_ =	sdelay $0x4  }
0x1ad: {  	v49 =	vshll.u32 v15, $0x3  }
0x1ae: {  	v15 =	vand.u32 $0x7, v15;
	v16 =	vand.u32 $0xFFFFFFC0, v49  }
0x1af: {  	v15 =	vor.u32 v15, v16  }
0x1b0: {  	v16 =	vperm.xlane v15, v12;
	_ =	sdelay $0x1  }
0x1b1: {  	v16 =	vadd.s32 v13, v16;
	_ =	sdelay $0x3  }
0x1b2: {  	s25 =	simm.s32 $0x4480  }
0x1b3: {  	[hbm4b:s2+s3] =	stream.indirect_vreg.scatter [tilespmem:s25], [sflag:$0x2], $0x80, v16, vm0, $0xb8;
	[tilespmem:$0x10480] =	vst v63  }
0x1b4: {  	v15 =	vperm.xlane v15, v14;
	s25 =	simm.s32 $0x4C80  }
0x1b5: {  	[hbm4b:s4+s3] =	stream.indirect_vreg.scatter [tilespmem:s25], [sflag:$0x2], $0x80, v16, vm0, $0xb8;
	[tilespmem:$0x10480] =	vst v63  }
0x1b6: {  	v15 =	vadd.s32 v13, v15;
	s25 =	simm.s32 $0x5480  }
0x1b7: {  	[hbm4b:s5+s3] =	stream.indirect_vreg.scatter [tilespmem:s25], [sflag:$0x2], $0x80, v16, vm0, $0xb8;
	[tilespmem:$0x10480] =	vst v63  }
0x1b8: {  	s25 =	simm.s32 $0x5C80  }
0x1b9: {  	[hbm4b:s6+s3] =	stream.indirect_vreg.scatter [tilespmem:s25], [sflag:$0x2], $0x80, v16, vm0, $0xb8;
	[tilespmem:$0x10480] =	vst v63  }
0x1ba: {  	s25 =	simm.s32 $0x6480  }
0x1bb: {  	[hbm4b:s2+s3] =	stream.indirect_vreg.scatter [tilespmem:s25], [sflag:$0x2], $0x80, v15, vm0, $0xb8;
	[tilespmem:$0x10480] =	vst v63  }
0x1bc: {  	s19 =	simm.s32 $0x6C80  }
0x1bd: {  	[hbm4b:s4+s3] =	stream.indirect_vreg.scatter [tilespmem:s19], [sflag:$0x2], $0x80, v15, vm0, $0xb8;
	[tilespmem:$0x10480] =	vst v63  }
0x1be: {  	s0 =	simm.s32 $0x7480  }
0x1bf: {  	[hbm4b:s5+s3] =	stream.indirect_vreg.scatter [tilespmem:s0], [sflag:$0x2], $0x80, v15, vm0, $0xb8;
	[tilespmem:$0x10480] =	vst v63  }
0x1c0: {  	s31 =	simm.s32 $0x7C80  }
0x1c1: {  	[hbm4b:s6+s3] =	stream.indirect_vreg.scatter [tilespmem:s31], [sflag:$0x2], $0x80, v15, vm0, $0xb8;
	[tilespmem:$0x10480] =	vst v63  }
0x1c2: {  	v15 =	vld [tilespmem:$0x2A0];
	_ =	sdelay $0x4  }
0x1c3: {  	v50 =	vshll.u32 v15, $0x3  }
0x1c4: {  	v15 =	vand.u32 $0x7, v15;
	v16 =	vand.u32 $0xFFFFFFC0, v50  }
0x1c5: {  	v15 =	vor.u32 v15, v16  }
0x1c6: {  	v16 =	vperm.xlane v15, v12;
	_ =	sdelay $0x1  }
0x1c7: {  	v16 =	vadd.s32 v13, v16;
	_ =	sdelay $0x3  }
0x1c8: {  	s30 =	simm.s32 $0x8480  }
0x1c9: {  	[hbm4b:s2+s3] =	stream.indirect_vreg.scatter [tilespmem:s30], [sflag:$0x2], $0x80, v16, vm0, $0xb8;
	[tilespmem:$0x10480] =	vst v63  }
0x1ca: {  	s28 =	simm.s32 $0x8C80;
	v15 =	vperm.xlane v15, v14  }
0x1cb: {  	[hbm4b:s4+s3] =	stream.indirect_vreg.scatter [tilespmem:s28], [sflag:$0x2], $0x80, v16, vm0, $0xb8;
	[tilespmem:$0x10480] =	vst v63  }
0x1cc: {  	s12 =	simm.s32 $0x9480;
	v15 =	vadd.s32 v13, v15  }
0x1cd: {  	[hbm4b:s5+s3] =	stream.indirect_vreg.scatter [tilespmem:s12], [sflag:$0x2], $0x80, v16, vm0, $0xb8;
	[tilespmem:$0x10480] =	vst v63  }
0x1ce: {  	s13 =	simm.s32 $0x9C80  }
0x1cf: {  	[hbm4b:s6+s3] =	stream.indirect_vreg.scatter [tilespmem:s13], [sflag:$0x2], $0x80, v16, vm0, $0xb8;
	[tilespmem:$0x10480] =	vst v63  }
0x1d0: {  	s14 =	simm.s32 $0xA480  }
0x1d1: {  	[hbm4b:s2+s3] =	stream.indirect_vreg.scatter [tilespmem:s14], [sflag:$0x2], $0x80, v15, vm0, $0xb8;
	[tilespmem:$0x10480] =	vst v63  }
0x1d2: {  	s15 =	simm.s32 $0xAC80  }
0x1d3: {  	[hbm4b:s4+s3] =	stream.indirect_vreg.scatter [tilespmem:s15], [sflag:$0x2], $0x80, v15, vm0, $0xb8;
	[tilespmem:$0x10480] =	vst v63  }
0x1d4: {  	s16 =	simm.s32 $0xB480  }
0x1d5: {  	[hbm4b:s5+s3] =	stream.indirect_vreg.scatter [tilespmem:s16], [sflag:$0x2], $0x80, v15, vm0, $0xb8;
	[tilespmem:$0x10480] =	vst v63  }
0x1d6: {  	s17 =	simm.s32 $0xBC80  }
0x1d7: {  	[hbm4b:s6+s3] =	stream.indirect_vreg.scatter [tilespmem:s17], [sflag:$0x2], $0x80, v15, vm0, $0xb8;
	[tilespmem:$0x10480] =	vst v63  }
0x1d8: {  	v15 =	vld [tilespmem:$0x2B0];
	_ =	sdelay $0x4  }
0x1d9: {  	v51 =	vshll.u32 v15, $0x3  }
0x1da: {  	v15 =	vand.u32 $0x7, v15;
	v16 =	vand.u32 $0xFFFFFFC0, v51  }
0x1db: {  	v15 =	vor.u32 v15, v16  }
0x1dc: {  	v16 =	vperm.xlane v15, v12;
	_ =	sdelay $0x1  }
0x1dd: {  	v16 =	vadd.s32 v13, v16;
	_ =	sdelay $0x3  }
0x1de: {  	s26 =	simm.s32 $0xC480  }
0x1df: {  	[hbm4b:s2+s3] =	stream.indirect_vreg.scatter [tilespmem:s26], [sflag:$0x2], $0x80, v16, vm0, $0xb8;
	[tilespmem:$0x10480] =	vst v63  }
0x1e0: {  	s20 =	simm.s32 $0xCC80;
	v15 =	vperm.xlane v15, v14  }
0x1e1: {  	[hbm4b:s4+s3] =	stream.indirect_vreg.scatter [tilespmem:s20], [sflag:$0x2], $0x80, v16, vm0, $0xb8;
	[tilespmem:$0x10480] =	vst v63  }
0x1e2: {  	s1 =	simm.s32 $0xD480;
	v15 =	vadd.s32 v13, v15  }
0x1e3: {  	[hbm4b:s5+s3] =	stream.indirect_vreg.scatter [tilespmem:s1], [sflag:$0x2], $0x80, v16, vm0, $0xb8;
	[tilespmem:$0x10480] =	vst v63  }
0x1e4: {  	s11 =	simm.s32 $0xDC80  }
0x1e5: {  	[hbm4b:s6+s3] =	stream.indirect_vreg.scatter [tilespmem:s11], [sflag:$0x2], $0x80, v16, vm0, $0xb8;
	[tilespmem:$0x10480] =	vst v63  }
0x1e6: {  	s21 =	simm.s32 $0xE480  }
0x1e7: {  	[hbm4b:s2+s3] =	stream.indirect_vreg.scatter [tilespmem:s21], [sflag:$0x2], $0x80, v15, vm0, $0xb8;
	[tilespmem:$0x10480] =	vst v63  }
0x1e8: {  	s10 =	simm.s32 $0xEC80  }
0x1e9: {  	[hbm4b:s4+s3] =	stream.indirect_vreg.scatter [tilespmem:s10], [sflag:$0x2], $0x80, v15, vm0, $0xb8;
	[tilespmem:$0x10480] =	vst v63  }
0x1ea: {  	s7 =	simm.s32 $0xF480  }
0x1eb: {  	[hbm4b:s5+s3] =	stream.indirect_vreg.scatter [tilespmem:s7], [sflag:$0x2], $0x80, v15, vm0, $0xb8;
	[tilespmem:$0x10480] =	vst v63  }
0x1ec: {  	s8 =	simm.s32 $0xFC80  }
0x1ed: {  	[hbm4b:s6+s3] =	stream.indirect_vreg.scatter [tilespmem:s8], [sflag:$0x2], $0x80, v15, vm0, $0xb8;
	[tilespmem:$0x10480] =	vst v63  }
0x1ee: {  	v15 =	vld [tilespmem:$0x300];
	_ =	sdelay $0x4  }
0x1ef: {  	v52 =	vshll.u32 v15, $0x3  }
0x1f0: {  	v15 =	vand.u32 $0x7, v15;
	v16 =	vand.u32 $0xFFFFFFC0, v52  }
0x1f1: {  	v15 =	vor.u32 v15, v16  }
0x1f2: {  	v16 =	vperm.xlane v15, v12;
	_ =	sdelay $0x1  }
0x1f3: {  	v16 =	vadd.s32 v13, v16;
	_ =	sdelay $0x3  }
0x1f4: {  	s9 =	simm.s32 $0x480  }
0x1f5: {  	[hbm4b:s2+s3] =	stream.indirect_vreg.scatter [tilespmem:s9], [sflag:$0x2], $0x80, v16, vm0, $0xb8;
	[tilespmem:$0x10480] =	vst v63  }
0x1f6: {  	s22 =	simm.s32 $0xC80;
	v15 =	vperm.xlane v15, v14  }
0x1f7: {  	[hbm4b:s4+s3] =	stream.indirect_vreg.scatter [tilespmem:s22], [sflag:$0x2], $0x80, v16, vm0, $0xb8;
	[tilespmem:$0x10480] =	vst v63  }
0x1f8: {  	s23 =	simm.s32 $0x1480;
	v15 =	vadd.s32 v13, v15  }
0x1f9: {  	[hbm4b:s5+s3] =	stream.indirect_vreg.scatter [tilespmem:s23], [sflag:$0x2], $0x80, v16, vm0, $0xb8;
	[tilespmem:$0x10480] =	vst v63  }
0x1fa: {  	s29 =	simm.s32 $0x1C80  }
0x1fb: {  	[hbm4b:s6+s3] =	stream.indirect_vreg.scatter [tilespmem:s29], [sflag:$0x2], $0x80, v16, vm0, $0xb8;
	[tilespmem:$0x10480] =	vst v63  }
0x1fc: {  	s23 =	simm.s32 $0x2480  }
0x1fd: {  	[hbm4b:s2+s3] =	stream.indirect_vreg.scatter [tilespmem:s23], [sflag:$0x2], $0x80, v15, vm0, $0xb8;
	[tilespmem:$0x10480] =	vst v63  }
0x1fe: {  	s23 =	simm.s32 $0x2C80  }
0x1ff: {  	[hbm4b:s4+s3] =	stream.indirect_vreg.scatter [tilespmem:s23], [sflag:$0x2], $0x80, v15, vm0, $0xb8;
	[tilespmem:$0x10480] =	vst v63  }
0x200: {  	s23 =	simm.s32 $0x3480  }
0x201: {  	[hbm4b:s5+s3] =	stream.indirect_vreg.scatter [tilespmem:s23], [sflag:$0x2], $0x80, v15, vm0, $0xb8;
	[tilespmem:$0x10480] =	vst v63  }
0x202: {  	s23 =	simm.s32 $0x3C80  }
0x203: {  	[hbm4b:s6+s3] =	stream.indirect_vreg.scatter [tilespmem:s23], [sflag:$0x2], $0x80, v15, vm0, $0xb8;
	[tilespmem:$0x10480] =	vst v63  }
0x204: {  	v15 =	vld [tilespmem:$0x310];
	_ =	sdelay $0x4  }
0x205: {  	v53 =	vshll.u32 v15, $0x3  }
0x206: {  	v15 =	vand.u32 $0x7, v15;
	v16 =	vand.u32 $0xFFFFFFC0, v53  }
0x207: {  	v15 =	vor.u32 v15, v16  }
0x208: {  	v16 =	vperm.xlane v15, v12;
	_ =	sdelay $0x1  }
0x209: {  	v16 =	vadd.s32 v13, v16;
	_ =	sdelay $0x3  }
0x20a: {  	s23 =	simm.s32 $0x4480  }
0x20b: {  	[hbm4b:s2+s3] =	stream.indirect_vreg.scatter [tilespmem:s23], [sflag:$0x2], $0x80, v16, vm0, $0xb8;
	[tilespmem:$0x10480] =	vst v63  }
0x20c: {  	v15 =	vperm.xlane v15, v14;
	s23 =	simm.s32 $0x4C80  }
0x20d: {  	[hbm4b:s4+s3] =	stream.indirect_vreg.scatter [tilespmem:s23], [sflag:$0x2], $0x80, v16, vm0, $0xb8;
	[tilespmem:$0x10480] =	vst v63  }
0x20e: {  	v15 =	vadd.s32 v13, v15;
	s23 =	simm.s32 $0x5480  }
0x20f: {  	[hbm4b:s5+s3] =	stream.indirect_vreg.scatter [tilespmem:s23], [sflag:$0x2], $0x80, v16, vm0, $0xb8;
	[tilespmem:$0x10480] =	vst v63  }
0x210: {  	s23 =	simm.s32 $0x5C80  }
0x211: {  	[hbm4b:s6+s3] =	stream.indirect_vreg.scatter [tilespmem:s23], [sflag:$0x2], $0x80, v16, vm0, $0xb8;
	[tilespmem:$0x10480] =	vst v63  }
0x212: {  	s23 =	simm.s32 $0x6480  }
0x213: {  	[hbm4b:s2+s3] =	stream.indirect_vreg.scatter [tilespmem:s23], [sflag:$0x2], $0x80, v15, vm0, $0xb8;
	[tilespmem:$0x10480] =	vst v63  }
0x214: {  	s19 =	simm.s32 $0x6C80  }
0x215: {  	[hbm4b:s4+s3] =	stream.indirect_vreg.scatter [tilespmem:s19], [sflag:$0x2], $0x80, v15, vm0, $0xb8;
	[tilespmem:$0x10480] =	vst v63  }
0x216: {  	s24 =	simm.s32 $0x7480  }
0x217: {  	[hbm4b:s5+s3] =	stream.indirect_vreg.scatter [tilespmem:s24], [sflag:$0x2], $0x80, v15, vm0, $0xb8;
	[tilespmem:$0x10480] =	vst v63  }
0x218: {  	s0 =	simm.s32 $0x7C80  }
0x219: {  	[hbm4b:s6+s3] =	stream.indirect_vreg.scatter [tilespmem:s0], [sflag:$0x2], $0x80, v15, vm0, $0xb8;
	[tilespmem:$0x10480] =	vst v63  }
0x21a: {  	v15 =	vld [tilespmem:$0x320];
	_ =	sdelay $0x4  }
0x21b: {  	v54 =	vshll.u32 v15, $0x3  }
0x21c: {  	v15 =	vand.u32 $0x7, v15;
	v16 =	vand.u32 $0xFFFFFFC0, v54  }
0x21d: {  	v15 =	vor.u32 v15, v16  }
0x21e: {  	v16 =	vperm.xlane v15, v12;
	_ =	sdelay $0x1  }
0x21f: {  	v16 =	vadd.s32 v13, v16;
	_ =	sdelay $0x3  }
0x220: {  	s30 =	simm.s32 $0x8480  }
0x221: {  	[hbm4b:s2+s3] =	stream.indirect_vreg.scatter [tilespmem:s30], [sflag:$0x2], $0x80, v16, vm0, $0xb8;
	[tilespmem:$0x10480] =	vst v63  }
0x222: {  	s31 =	simm.s32 $0x8C80;
	v15 =	vperm.xlane v15, v14  }
0x223: {  	[hbm4b:s4+s3] =	stream.indirect_vreg.scatter [tilespmem:s31], [sflag:$0x2], $0x80, v16, vm0, $0xb8;
	[tilespmem:$0x10480] =	vst v63  }
0x224: {  	s12 =	simm.s32 $0x9480;
	v15 =	vadd.s32 v13, v15  }
0x225: {  	[hbm4b:s5+s3] =	stream.indirect_vreg.scatter [tilespmem:s12], [sflag:$0x2], $0x80, v16, vm0, $0xb8;
	[tilespmem:$0x10480] =	vst v63  }
0x226: {  	s13 =	simm.s32 $0x9C80  }
0x227: {  	[hbm4b:s6+s3] =	stream.indirect_vreg.scatter [tilespmem:s13], [sflag:$0x2], $0x80, v16, vm0, $0xb8;
	[tilespmem:$0x10480] =	vst v63  }
0x228: {  	s14 =	simm.s32 $0xA480  }
0x229: {  	[hbm4b:s2+s3] =	stream.indirect_vreg.scatter [tilespmem:s14], [sflag:$0x2], $0x80, v15, vm0, $0xb8;
	[tilespmem:$0x10480] =	vst v63  }
0x22a: {  	s15 =	simm.s32 $0xAC80  }
0x22b: {  	[hbm4b:s4+s3] =	stream.indirect_vreg.scatter [tilespmem:s15], [sflag:$0x2], $0x80, v15, vm0, $0xb8;
	[tilespmem:$0x10480] =	vst v63  }
0x22c: {  	s16 =	simm.s32 $0xB480  }
0x22d: {  	[hbm4b:s5+s3] =	stream.indirect_vreg.scatter [tilespmem:s16], [sflag:$0x2], $0x80, v15, vm0, $0xb8;
	[tilespmem:$0x10480] =	vst v63  }
0x22e: {  	s17 =	simm.s32 $0xBC80  }
0x22f: {  	[hbm4b:s6+s3] =	stream.indirect_vreg.scatter [tilespmem:s17], [sflag:$0x2], $0x80, v15, vm0, $0xb8;
	[tilespmem:$0x10480] =	vst v63  }
0x230: {  	v15 =	vld [tilespmem:$0x330];
	_ =	sdelay $0x4  }
0x231: {  	v55 =	vshll.u32 v15, $0x3  }
0x232: {  	v15 =	vand.u32 $0x7, v15;
	v16 =	vand.u32 $0xFFFFFFC0, v55  }
0x233: {  	v15 =	vor.u32 v15, v16  }
0x234: {  	v16 =	vperm.xlane v15, v12;
	_ =	sdelay $0x1  }
0x235: {  	v16 =	vadd.s32 v13, v16;
	_ =	sdelay $0x3  }
0x236: {  	s26 =	simm.s32 $0xC480  }
0x237: {  	[hbm4b:s2+s3] =	stream.indirect_vreg.scatter [tilespmem:s26], [sflag:$0x2], $0x80, v16, vm0, $0xb8;
	[tilespmem:$0x10480] =	vst v63  }
0x238: {  	s20 =	simm.s32 $0xCC80;
	v15 =	vperm.xlane v15, v14  }
0x239: {  	[hbm4b:s4+s3] =	stream.indirect_vreg.scatter [tilespmem:s20], [sflag:$0x2], $0x80, v16, vm0, $0xb8;
	[tilespmem:$0x10480] =	vst v63  }
0x23a: {  	s25 =	simm.s32 $0xD480;
	v15 =	vadd.s32 v13, v15  }
0x23b: {  	[hbm4b:s5+s3] =	stream.indirect_vreg.scatter [tilespmem:s25], [sflag:$0x2], $0x80, v16, vm0, $0xb8;
	[tilespmem:$0x10480] =	vst v63  }
0x23c: {  	s28 =	simm.s32 $0xDC80  }
0x23d: {  	[hbm4b:s6+s3] =	stream.indirect_vreg.scatter [tilespmem:s28], [sflag:$0x2], $0x80, v16, vm0, $0xb8;
	[tilespmem:$0x10480] =	vst v63  }
0x23e: {  	s11 =	simm.s32 $0xE480  }
0x23f: {  	[hbm4b:s2+s3] =	stream.indirect_vreg.scatter [tilespmem:s11], [sflag:$0x2], $0x80, v15, vm0, $0xb8;
	[tilespmem:$0x10480] =	vst v63  }
0x240: {  	s10 =	simm.s32 $0xEC80  }
0x241: {  	[hbm4b:s4+s3] =	stream.indirect_vreg.scatter [tilespmem:s10], [sflag:$0x2], $0x80, v15, vm0, $0xb8;
	[tilespmem:$0x10480] =	vst v63  }
0x242: {  	s1 =	simm.s32 $0xF480  }
0x243: {  	[hbm4b:s5+s3] =	stream.indirect_vreg.scatter [tilespmem:s1], [sflag:$0x2], $0x80, v15, vm0, $0xb8;
	[tilespmem:$0x10480] =	vst v63  }
0x244: {  	s7 =	simm.s32 $0xFC80  }
0x245: {  	[hbm4b:s6+s3] =	stream.indirect_vreg.scatter [tilespmem:s7], [sflag:$0x2], $0x80, v15, vm0, $0xb8;
	[tilespmem:$0x10480] =	vst v63  }
0x246: {  	v15 =	vld [tilespmem:$0x380];
	_ =	sdelay $0x4  }
0x247: {  	v56 =	vshll.u32 v15, $0x3  }
0x248: {  	v15 =	vand.u32 $0x7, v15;
	v16 =	vand.u32 $0xFFFFFFC0, v56  }
0x249: {  	v15 =	vor.u32 v15, v16  }
0x24a: {  	v16 =	vperm.xlane v15, v12;
	_ =	sdelay $0x1  }
0x24b: {  	v16 =	vadd.s32 v13, v16;
	_ =	sdelay $0x3  }
0x24c: {  	s8 =	simm.s32 $0x480  }
0x24d: {  	[hbm4b:s2+s3] =	stream.indirect_vreg.scatter [tilespmem:s8], [sflag:$0x2], $0x80, v16, vm0, $0xb8;
	[tilespmem:$0x10480] =	vst v63  }
0x24e: {  	s9 =	simm.s32 $0xC80;
	v15 =	vperm.xlane v15, v14  }
0x24f: {  	[hbm4b:s4+s3] =	stream.indirect_vreg.scatter [tilespmem:s9], [sflag:$0x2], $0x80, v16, vm0, $0xb8;
	[tilespmem:$0x10480] =	vst v63  }
0x250: {  	s21 =	simm.s32 $0x1480;
	v15 =	vadd.s32 v13, v15  }
0x251: {  	[hbm4b:s5+s3] =	stream.indirect_vreg.scatter [tilespmem:s21], [sflag:$0x2], $0x80, v16, vm0, $0xb8;
	[tilespmem:$0x10480] =	vst v63  }
0x252: {  	s29 =	simm.s32 $0x1C80  }
0x253: {  	[hbm4b:s6+s3] =	stream.indirect_vreg.scatter [tilespmem:s29], [sflag:$0x2], $0x80, v16, vm0, $0xb8;
	[tilespmem:$0x10480] =	vst v63  }
0x254: {  	s29 =	simm.s32 $0x2480  }
0x255: {  	[hbm4b:s2+s3] =	stream.indirect_vreg.scatter [tilespmem:s29], [sflag:$0x2], $0x80, v15, vm0, $0xb8;
	[tilespmem:$0x10480] =	vst v63  }
0x256: {  	s8 =	simm.s32 $0x2C80  }
0x257: {  	[hbm4b:s4+s3] =	stream.indirect_vreg.scatter [tilespmem:s8], [sflag:$0x2], $0x80, v15, vm0, $0xb8;
	[tilespmem:$0x10480] =	vst v63  }
0x258: {  	s10 =	simm.s32 $0x3480  }
0x259: {  	[hbm4b:s5+s3] =	stream.indirect_vreg.scatter [tilespmem:s10], [sflag:$0x2], $0x80, v15, vm0, $0xb8;
	[tilespmem:$0x10480] =	vst v63  }
0x25a: {  	s29 =	simm.s32 $0x3C80  }
0x25b: {  	[hbm4b:s6+s3] =	stream.indirect_vreg.scatter [tilespmem:s29], [sflag:$0x2], $0x80, v15, vm0, $0xb8;
	[tilespmem:$0x10480] =	vst v63  }
0x25c: {  	v15 =	vld [tilespmem:$0x390];
	_ =	sdelay $0x4  }
0x25d: {  	v57 =	vshll.u32 v15, $0x3  }
0x25e: {  	v15 =	vand.u32 $0x7, v15;
	v16 =	vand.u32 $0xFFFFFFC0, v57  }
0x25f: {  	v15 =	vor.u32 v15, v16  }
0x260: {  	v16 =	vperm.xlane v15, v12;
	_ =	sdelay $0x1  }
0x261: {  	v16 =	vadd.s32 v13, v16;
	_ =	sdelay $0x3  }
0x262: {  	s8 =	simm.s32 $0x4480  }
0x263: {  	[hbm4b:s2+s3] =	stream.indirect_vreg.scatter [tilespmem:s8], [sflag:$0x2], $0x80, v16, vm0, $0xb8;
	[tilespmem:$0x10480] =	vst v63  }
0x264: {  	s10 =	simm.s32 $0x4C80;
	v15 =	vperm.xlane v15, v14  }
0x265: {  	[hbm4b:s4+s3] =	stream.indirect_vreg.scatter [tilespmem:s10], [sflag:$0x2], $0x80, v16, vm0, $0xb8;
	[tilespmem:$0x10480] =	vst v63  }
0x266: {  	s29 =	simm.s32 $0x5480;
	v15 =	vadd.s32 v13, v15  }
0x267: {  	[hbm4b:s5+s3] =	stream.indirect_vreg.scatter [tilespmem:s29], [sflag:$0x2], $0x80, v16, vm0, $0xb8;
	[tilespmem:$0x10480] =	vst v63  }
0x268: {  	s8 =	simm.s32 $0x5C80  }
0x269: {  	[hbm4b:s6+s3] =	stream.indirect_vreg.scatter [tilespmem:s8], [sflag:$0x2], $0x80, v16, vm0, $0xb8;
	[tilespmem:$0x10480] =	vst v63  }
0x26a: {  	s10 =	simm.s32 $0x6480  }
0x26b: {  	[hbm4b:s2+s3] =	stream.indirect_vreg.scatter [tilespmem:s10], [sflag:$0x2], $0x80, v15, vm0, $0xb8;
	[tilespmem:$0x10480] =	vst v63  }
0x26c: {  	s19 =	simm.s32 $0x6C80  }
0x26d: {  	[hbm4b:s4+s3] =	stream.indirect_vreg.scatter [tilespmem:s19], [sflag:$0x2], $0x80, v15, vm0, $0xb8;
	[tilespmem:$0x10480] =	vst v63  }
0x26e: {  	s22 =	simm.s32 $0x7480  }
0x26f: {  	[hbm4b:s5+s3] =	stream.indirect_vreg.scatter [tilespmem:s22], [sflag:$0x2], $0x80, v15, vm0, $0xb8;
	[tilespmem:$0x10480] =	vst v63  }
0x270: {  	s23 =	simm.s32 $0x7C80  }
0x271: {  	[hbm4b:s6+s3] =	stream.indirect_vreg.scatter [tilespmem:s23], [sflag:$0x2], $0x80, v15, vm0, $0xb8;
	[tilespmem:$0x10480] =	vst v63  }
0x272: {  	v15 =	vld [tilespmem:$0x3A0];
	_ =	sdelay $0x4  }
0x273: {  	v58 =	vshll.u32 v15, $0x3  }
0x274: {  	v15 =	vand.u32 $0x7, v15;
	v16 =	vand.u32 $0xFFFFFFC0, v58  }
0x275: {  	v15 =	vor.u32 v15, v16  }
0x276: {  	v16 =	vperm.xlane v15, v12;
	_ =	sdelay $0x1  }
0x277: {  	v16 =	vadd.s32 v13, v16;
	_ =	sdelay $0x3  }
0x278: {  	s24 =	simm.s32 $0x8480  }
0x279: {  	[hbm4b:s2+s3] =	stream.indirect_vreg.scatter [tilespmem:s24], [sflag:$0x2], $0x80, v16, vm0, $0xb8;
	[tilespmem:$0x10480] =	vst v63  }
0x27a: {  	s31 =	simm.s32 $0x8C80;
	v15 =	vperm.xlane v15, v14  }
0x27b: {  	[hbm4b:s4+s3] =	stream.indirect_vreg.scatter [tilespmem:s31], [sflag:$0x2], $0x80, v16, vm0, $0xb8;
	[tilespmem:$0x10480] =	vst v63  }
0x27c: {  	s29 =	simm.s32 $0x9480;
	v15 =	vadd.s32 v13, v15  }
0x27d: {  	[hbm4b:s5+s3] =	stream.indirect_vreg.scatter [tilespmem:s29], [sflag:$0x2], $0x80, v16, vm0, $0xb8;
	[tilespmem:$0x10480] =	vst v63  }
0x27e: {  	s13 =	simm.s32 $0x9C80  }
0x27f: {  	[hbm4b:s6+s3] =	stream.indirect_vreg.scatter [tilespmem:s13], [sflag:$0x2], $0x80, v16, vm0, $0xb8;
	[tilespmem:$0x10480] =	vst v63  }
0x280: {  	s14 =	simm.s32 $0xA480  }
0x281: {  	[hbm4b:s2+s3] =	stream.indirect_vreg.scatter [tilespmem:s14], [sflag:$0x2], $0x80, v15, vm0, $0xb8;
	[tilespmem:$0x10480] =	vst v63  }
0x282: {  	s15 =	simm.s32 $0xAC80  }
0x283: {  	[hbm4b:s4+s3] =	stream.indirect_vreg.scatter [tilespmem:s15], [sflag:$0x2], $0x80, v15, vm0, $0xb8;
	[tilespmem:$0x10480] =	vst v63  }
0x284: {  	s16 =	simm.s32 $0xB480  }
0x285: {  	[hbm4b:s5+s3] =	stream.indirect_vreg.scatter [tilespmem:s16], [sflag:$0x2], $0x80, v15, vm0, $0xb8;
	[tilespmem:$0x10480] =	vst v63  }
0x286: {  	s17 =	simm.s32 $0xBC80  }
0x287: {  	[hbm4b:s6+s3] =	stream.indirect_vreg.scatter [tilespmem:s17], [sflag:$0x2], $0x80, v15, vm0, $0xb8;
	[tilespmem:$0x10480] =	vst v63  }
0x288: {  	v15 =	vld [tilespmem:$0x3B0];
	_ =	sdelay $0x4  }
0x289: {  	v59 =	vshll.u32 v15, $0x3  }
0x28a: {  	v15 =	vand.u32 $0x7, v15;
	v16 =	vand.u32 $0xFFFFFFC0, v59  }
0x28b: {  	v15 =	vor.u32 v15, v16  }
0x28c: {  	v16 =	vperm.xlane v15, v12;
	_ =	sdelay $0x1  }
0x28d: {  	v16 =	vadd.s32 v13, v16;
	_ =	sdelay $0x3  }
0x28e: {  	s30 =	simm.s32 $0xC480  }
0x28f: {  	[hbm4b:s2+s3] =	stream.indirect_vreg.scatter [tilespmem:s30], [sflag:$0x2], $0x80, v16, vm0, $0xb8;
	[tilespmem:$0x10480] =	vst v63  }
0x290: {  	s20 =	simm.s32 $0xCC80;
	v15 =	vperm.xlane v15, v14  }
0x291: {  	[hbm4b:s4+s3] =	stream.indirect_vreg.scatter [tilespmem:s20], [sflag:$0x2], $0x80, v16, vm0, $0xb8;
	[tilespmem:$0x10480] =	vst v63  }
0x292: {  	s25 =	simm.s32 $0xD480;
	v15 =	vadd.s32 v13, v15  }
0x293: {  	[hbm4b:s5+s3] =	stream.indirect_vreg.scatter [tilespmem:s25], [sflag:$0x2], $0x80, v16, vm0, $0xb8;
	[tilespmem:$0x10480] =	vst v63  }
0x294: {  	s26 =	simm.s32 $0xDC80  }
0x295: {  	[hbm4b:s6+s3] =	stream.indirect_vreg.scatter [tilespmem:s26], [sflag:$0x2], $0x80, v16, vm0, $0xb8;
	[tilespmem:$0x10480] =	vst v63  }
0x296: {  	s11 =	simm.s32 $0xE480  }
0x297: {  	[hbm4b:s2+s3] =	stream.indirect_vreg.scatter [tilespmem:s11], [sflag:$0x2], $0x80, v15, vm0, $0xb8;
	[tilespmem:$0x10480] =	vst v63  }
0x298: {  	s12 =	simm.s32 $0xEC80  }
0x299: {  	[hbm4b:s4+s3] =	stream.indirect_vreg.scatter [tilespmem:s12], [sflag:$0x2], $0x80, v15, vm0, $0xb8;
	[tilespmem:$0x10480] =	vst v63  }
0x29a: {  	s30 =	simm.s32 $0xF480  }
0x29b: {  	[hbm4b:s5+s3] =	stream.indirect_vreg.scatter [tilespmem:s30], [sflag:$0x2], $0x80, v15, vm0, $0xb8;
	[tilespmem:$0x10480] =	vst v63  }
0x29c: {  	s28 =	simm.s32 $0xFC80  }
0x29d: {  	[hbm4b:s6+s3] =	stream.indirect_vreg.scatter [tilespmem:s28], [sflag:$0x2], $0x80, v15, vm0, $0xb8;
	[tilespmem:$0x10480] =	vst v63  }
0x29e: {  	v15 =	vld [tilespmem:$0x400];
	_ =	sdelay $0x4  }
0x29f: {  	v60 =	vshll.u32 v15, $0x3  }
0x2a0: {  	v15 =	vand.u32 $0x7, v15;
	v16 =	vand.u32 $0xFFFFFFC0, v60  }
0x2a1: {  	v15 =	vor.u32 v15, v16  }
0x2a2: {  	v16 =	vperm.xlane v15, v12;
	_ =	sdelay $0x1  }
0x2a3: {  	v16 =	vadd.s32 v13, v16;
	_ =	sdelay $0x3  }
0x2a4: {  	s0 =	simm.s32 $0x480  }
0x2a5: {  	[hbm4b:s2+s3] =	stream.indirect_vreg.scatter [tilespmem:s0], [sflag:$0x2], $0x80, v16, vm0, $0xb8;
	[tilespmem:$0x10480] =	vst v63  }
0x2a6: {  	s7 =	simm.s32 $0xC80;
	v15 =	vperm.xlane v15, v14  }
0x2a7: {  	[hbm4b:s4+s3] =	stream.indirect_vreg.scatter [tilespmem:s7], [sflag:$0x2], $0x80, v16, vm0, $0xb8;
	[tilespmem:$0x10480] =	vst v63  }
0x2a8: {  	s9 =	simm.s32 $0x1480;
	v15 =	vadd.s32 v13, v15  }
0x2a9: {  	[hbm4b:s5+s3] =	stream.indirect_vreg.scatter [tilespmem:s9], [sflag:$0x2], $0x80, v16, vm0, $0xb8;
	[tilespmem:$0x10480] =	vst v63  }
0x2aa: {  	s21 =	simm.s32 $0x1C80  }
0x2ab: {  	[hbm4b:s6+s3] =	stream.indirect_vreg.scatter [tilespmem:s21], [sflag:$0x2], $0x80, v16, vm0, $0xb8;
	[tilespmem:$0x10480] =	vst v63  }
0x2ac: {  	s7 =	simm.s32 $0x2480  }
0x2ad: {  	[hbm4b:s2+s3] =	stream.indirect_vreg.scatter [tilespmem:s7], [sflag:$0x2], $0x80, v15, vm0, $0xb8;
	[tilespmem:$0x10480] =	vst v63  }
0x2ae: {  	s9 =	simm.s32 $0x2C80  }
0x2af: {  	[hbm4b:s4+s3] =	stream.indirect_vreg.scatter [tilespmem:s9], [sflag:$0x2], $0x80, v15, vm0, $0xb8;
	[tilespmem:$0x10480] =	vst v63  }
0x2b0: {  	s21 =	simm.s32 $0x3480  }
0x2b1: {  	[hbm4b:s5+s3] =	stream.indirect_vreg.scatter [tilespmem:s21], [sflag:$0x2], $0x80, v15, vm0, $0xb8;
	[tilespmem:$0x10480] =	vst v63  }
0x2b2: {  	s28 =	simm.s32 $0x3C80  }
0x2b3: {  	[hbm4b:s6+s3] =	stream.indirect_vreg.scatter [tilespmem:s28], [sflag:$0x2], $0x80, v15, vm0, $0xb8;
	[tilespmem:$0x10480] =	vst v63  }
0x2b4: {  	v15 =	vld [tilespmem:$0x410];
	_ =	sdelay $0x4  }
0x2b5: {  	v61 =	vshll.u32 v15, $0x3  }
0x2b6: {  	v15 =	vand.u32 $0x7, v15;
	v16 =	vand.u32 $0xFFFFFFC0, v61  }
0x2b7: {  	v15 =	vor.u32 v15, v16  }
0x2b8: {  	v16 =	vperm.xlane v15, v12;
	_ =	sdelay $0x1  }
0x2b9: {  	v16 =	vadd.s32 v13, v16;
	_ =	sdelay $0x3  }
0x2ba: {  	s30 =	simm.s32 $0x4480  }
0x2bb: {  	[hbm4b:s2+s3] =	stream.indirect_vreg.scatter [tilespmem:s30], [sflag:$0x2], $0x80, v16, vm0, $0xb8;
	[tilespmem:$0x10480] =	vst v63  }
0x2bc: {  	s7 =	simm.s32 $0x4C80;
	v15 =	vperm.xlane v15, v14  }
0x2bd: {  	[hbm4b:s4+s3] =	stream.indirect_vreg.scatter [tilespmem:s7], [sflag:$0x2], $0x80, v16, vm0, $0xb8;
	[tilespmem:$0x10480] =	vst v63  }
0x2be: {  	s9 =	simm.s32 $0x5480;
	v15 =	vadd.s32 v13, v15  }
0x2bf: {  	[hbm4b:s5+s3] =	stream.indirect_vreg.scatter [tilespmem:s9], [sflag:$0x2], $0x80, v16, vm0, $0xb8;
	[tilespmem:$0x10480] =	vst v63  }
0x2c0: {  	s21 =	simm.s32 $0x5C80  }
0x2c1: {  	[hbm4b:s6+s3] =	stream.indirect_vreg.scatter [tilespmem:s21], [sflag:$0x2], $0x80, v16, vm0, $0xb8;
	[tilespmem:$0x10480] =	vst v63  }
0x2c2: {  	s28 =	simm.s32 $0x6480  }
0x2c3: {  	[hbm4b:s2+s3] =	stream.indirect_vreg.scatter [tilespmem:s28], [sflag:$0x2], $0x80, v15, vm0, $0xb8;
	[tilespmem:$0x10480] =	vst v63  }
0x2c4: {  	s8 =	simm.s32 $0x6C80  }
0x2c5: {  	[hbm4b:s4+s3] =	stream.indirect_vreg.scatter [tilespmem:s8], [sflag:$0x2], $0x80, v15, vm0, $0xb8;
	[tilespmem:$0x10480] =	vst v63  }
0x2c6: {  	s10 =	simm.s32 $0x7480  }
0x2c7: {  	[hbm4b:s5+s3] =	stream.indirect_vreg.scatter [tilespmem:s10], [sflag:$0x2], $0x80, v15, vm0, $0xb8;
	[tilespmem:$0x10480] =	vst v63  }
0x2c8: {  	s19 =	simm.s32 $0x7C80  }
0x2c9: {  	[hbm4b:s6+s3] =	stream.indirect_vreg.scatter [tilespmem:s19], [sflag:$0x2], $0x80, v15, vm0, $0xb8;
	[tilespmem:$0x10480] =	vst v63  }
0x2ca: {  	v15 =	vld [tilespmem:$0x420];
	_ =	sdelay $0x4  }
0x2cb: {  	v62 =	vshll.u32 v15, $0x3  }
0x2cc: {  	v15 =	vand.u32 $0x7, v15;
	v16 =	vand.u32 $0xFFFFFFC0, v62  }
0x2cd: {  	v15 =	vor.u32 v15, v16  }
0x2ce: {  	v16 =	vperm.xlane v15, v12;
	_ =	sdelay $0x1  }
0x2cf: {  	v16 =	vadd.s32 v13, v16;
	_ =	sdelay $0x3  }
0x2d0: {  	s22 =	simm.s32 $0x8480  }
0x2d1: {  	[hbm4b:s2+s3] =	stream.indirect_vreg.scatter [tilespmem:s22], [sflag:$0x2], $0x80, v16, vm0, $0xb8;
	[tilespmem:$0x10480] =	vst v63  }
0x2d2: {  	s1 =	simm.s32 $0x8C80;
	v15 =	vperm.xlane v15, v14  }
0x2d3: {  	[hbm4b:s4+s3] =	stream.indirect_vreg.scatter [tilespmem:s1], [sflag:$0x2], $0x80, v16, vm0, $0xb8;
	[tilespmem:$0x10480] =	vst v63  }
0x2d4: {  	s31 =	simm.s32 $0x9480;
	v15 =	vadd.s32 v13, v15  }
0x2d5: {  	[hbm4b:s5+s3] =	stream.indirect_vreg.scatter [tilespmem:s31], [sflag:$0x2], $0x80, v16, vm0, $0xb8;
	[tilespmem:$0x10480] =	vst v63  }
0x2d6: {  	s24 =	simm.s32 $0x9C80  }
0x2d7: {  	[hbm4b:s6+s3] =	stream.indirect_vreg.scatter [tilespmem:s24], [sflag:$0x2], $0x80, v16, vm0, $0xb8;
	[tilespmem:$0x10480] =	vst v63  }
0x2d8: {  	s13 =	simm.s32 $0xA480  }
0x2d9: {  	[hbm4b:s2+s3] =	stream.indirect_vreg.scatter [tilespmem:s13], [sflag:$0x2], $0x80, v15, vm0, $0xb8;
	[tilespmem:$0x10480] =	vst v63  }
0x2da: {  	s14 =	simm.s32 $0xAC80  }
0x2db: {  	[hbm4b:s4+s3] =	stream.indirect_vreg.scatter [tilespmem:s14], [sflag:$0x2], $0x80, v15, vm0, $0xb8;
	[tilespmem:$0x10480] =	vst v63  }
0x2dc: {  	s15 =	simm.s32 $0xB480  }
0x2dd: {  	[hbm4b:s5+s3] =	stream.indirect_vreg.scatter [tilespmem:s15], [sflag:$0x2], $0x80, v15, vm0, $0xb8;
	[tilespmem:$0x10480] =	vst v63  }
0x2de: {  	s16 =	simm.s32 $0xBC80  }
0x2df: {  	[hbm4b:s6+s3] =	stream.indirect_vreg.scatter [tilespmem:s16], [sflag:$0x2], $0x80, v15, vm0, $0xb8;
	[tilespmem:$0x10480] =	vst v63  }
0x2e0: {  	v15 =	vld [tilespmem:$0x430];
	_ =	sdelay $0x4  }
0x2e1: {  	v63 =	vshll.u32 v15, $0x3  }
0x2e2: {  	v15 =	vand.u32 $0x7, v15;
	v16 =	vand.u32 $0xFFFFFFC0, v63  }
0x2e3: {  	v15 =	vor.u32 v15, v16  }
0x2e4: {  	v16 =	vperm.xlane v15, v12;
	_ =	sdelay $0x1  }
0x2e5: {  	v16 =	vadd.s32 v13, v16;
	_ =	sdelay $0x3  }
0x2e6: {  	s29 =	simm.s32 $0xC480  }
0x2e7: {  	[hbm4b:s2+s3] =	stream.indirect_vreg.scatter [tilespmem:s29], [sflag:$0x2], $0x80, v16, vm0, $0xb8;
	[tilespmem:$0x10480] =	vst v63  }
0x2e8: {  	s17 =	simm.s32 $0xCC80;
	v15 =	vperm.xlane v15, v14  }
0x2e9: {  	[hbm4b:s4+s3] =	stream.indirect_vreg.scatter [tilespmem:s17], [sflag:$0x2], $0x80, v16, vm0, $0xb8;
	[tilespmem:$0x10480] =	vst v63  }
0x2ea: {  	s20 =	simm.s32 $0xD480;
	v15 =	vadd.s32 v13, v15  }
0x2eb: {  	[hbm4b:s5+s3] =	stream.indirect_vreg.scatter [tilespmem:s20], [sflag:$0x2], $0x80, v16, vm0, $0xb8;
	[tilespmem:$0x10480] =	vst v63  }
0x2ec: {  	s25 =	simm.s32 $0xDC80  }
0x2ed: {  	[hbm4b:s6+s3] =	stream.indirect_vreg.scatter [tilespmem:s25], [sflag:$0x2], $0x80, v16, vm0, $0xb8;
	[tilespmem:$0x10480] =	vst v63  }
0x2ee: {  	s23 =	simm.s32 $0xE480  }
0x2ef: {  	[hbm4b:s2+s3] =	stream.indirect_vreg.scatter [tilespmem:s23], [sflag:$0x2], $0x80, v15, vm0, $0xb8;
	[tilespmem:$0x10480] =	vst v63  }
0x2f0: {  	s11 =	simm.s32 $0xEC80  }
0x2f1: {  	[hbm4b:s4+s3] =	stream.indirect_vreg.scatter [tilespmem:s11], [sflag:$0x2], $0x80, v15, vm0, $0xb8;
	[tilespmem:$0x10480] =	vst v63  }
0x2f2: {  	s26 =	simm.s32 $0xF480  }
0x2f3: {  	[hbm4b:s5+s3] =	stream.indirect_vreg.scatter [tilespmem:s26], [sflag:$0x2], $0x80, v15, vm0, $0xb8;
	[tilespmem:$0x10480] =	vst v63  }
0x2f4: {  	s12 =	simm.s32 $0xFC80  }
0x2f5: {  	[hbm4b:s6+s3] =	stream.indirect_vreg.scatter [tilespmem:s12], [sflag:$0x2], $0x80, v15, vm0, $0xb8;
	[tilespmem:$0x10480] =	vst v63  }
0x2f6: {  	s30 =	rddreg [dreg:$0x6];
	_ =	swait.ge [sflag:s18], $0x10000  }
0x2f7: {  	[sflag:s18] =	ssyncset.done $0x0  }
0x2f8: {  	[sflag:s18] =	ssyncadd.s32 $0xFFFF0000  }
0x2f9: {  	_ =	swait.ge [sflag:s18], $0x10000  }
0x2fa: {  	[sflag:s18] =	ssyncset.done $0x0  }
0x2fb: {  	[sflag:s18] =	ssyncadd.s32 $0xFFFF0000  }
0x2fc: {  	_ =	swait.ge [sflag:s18], $0x10000  }
0x2fd: {  	[sflag:s18] =	ssyncset.done $0x0  }
0x2fe: {  	[sflag:s18] =	ssyncadd.s32 $0xFFFF0000  }
0x2ff: {  	_ =	swait.ge [sflag:s18], $0x10000  }
0x300: {  	[sflag:s18] =	ssyncset.done $0x0  }
0x301: {  	[sflag:s18] =	ssyncadd.s32 $0xFFFF0000  }
0x302: {  	_ =	swait.ge [sflag:s18], $0x10000  }
0x303: {  	[sflag:s18] =	ssyncset.done $0x0  }
0x304: {  	[sflag:s18] =	ssyncadd.s32 $0xFFFF0000  }
0x305: {  	_ =	swait.ge [sflag:s18], $0x10000  }
0x306: {  	[sflag:s18] =	ssyncset.done $0x0  }
0x307: {  	[sflag:s18] =	ssyncadd.s32 $0xFFFF0000  }
0x308: {  	p0 =	sne.s32 s30, $0x1;
	_ =	swait.ge [sflag:s18], $0x10000  }
.Ltmp0:
0x309: {  	[sflag:s18] =	ssyncset.done $0x0;
	(pc) =	sbr.rel @p0 .LBB2_1-.Ltmp0, $4  }
0x30a: {  	[sflag:s18] =	ssyncadd.s32 $0xFFFF0000  }
0x30b: {  	_ =	swait.ge [sflag:s18], $0x10000  }
0x30c: {  	[sflag:s18] =	ssyncset.done $0x0  }
0x30d: {  	s0 =	sadd.s32 $0xFFFFFFFF, s30;
	[sflag:s18] =	ssyncadd.s32 $0xFFFF0000  }
0x30e: {  	_ =	sfence.sel $0x180000  }
0x30f: {  	[bflag:$0x0] =	sbarrier.arrive $0xFFFF  }
0x310: {  	_ =	strace $0x90000047  }
0x311: {  	s0 =	stileid.u32;
	[bflag:$0x2] =	sbarrier.arrive $0xFFFF  }
0x312: {  	p0 =	sne.s32 s0, $0x0;
	s0 =	rddreg [dreg:$0x3]  }
0x313: {  	s0 =	sadd.s32 @!p0 $0x100000, s0  }
0x314: {  	[sflag:s0] =	ssyncadd.tile.s32 @!p0 $0x1;
	_ =	shalt  }
.Lfunc_end2:
_tile_overlayer_lowered:
.L_overlay_start_2:
0x315: {  	(tag) =	ssettag $0x2  }
0x316: {  	s0 =	rddreg [dreg:$0x0];
	s2 =	stileid.u32  }
0x317: {  	s1 =	rddreg [dreg:$0x1];
	p0 =	sne.s32 s2, $0x0  }
0x318: {  	s3 =	rddreg [dreg:$0x2];
	[bflag:$0x3] =	sbarrier.arrive $0xFFFF;
	s2 =	simm.s32 @!p0 $0x1C03  }
0x319: {  	[timem:s3], [sflag:s2] =	dma.local @!p0 [hbm:s0], s1  }
0x31a: {  	s0 =	simm.s32 @!p0 $0x3  }
0x31b: {  	_ =	swait.ge @!p0 [sflag:s0], s1  }
0x31c: {  	s1 =	ssub.s32 @!p0 $0x0, s1;
	[sflag:s0] =	ssyncset.done @!p0 $0x0  }
0x31d: {  	[sflag:s0] =	ssyncadd.s32 @!p0 s1  }
0x31e: {  	[bflag:$0x3] =	sbarrier.arrive $0xFFFF  }
0x31f: {  	_ =	shalt  }

</sc_bundles>
